<compile_context>
chip_gen: v7x
topology: tpu7x:2x2x1
jax: 0.10.2.dev20260603
libtpu: 0.0.44.dev20260713+nightly
codegen_flags: <defaults>
</compile_context>

<pallas_src>
import functools

import jax
import jax.numpy as jnp
from jax import lax
from jax.experimental import pallas as pl
from jax.experimental.pallas import tpu as pltpu
from jax.experimental.pallas import tpu_sc as plsc

NC, NS = 2, 16
NW = NC * NS
PP = 16


def _sc_gather(xr, pr, idx2, chunk):
    E = idx2.shape[1]
    e_per_w = E // NW
    niters = e_per_w // chunk
    pairs = niters // 2
    tail = niters % 2
    mesh = plsc.VectorSubcoreMesh(core_axis_name="c", subcore_axis_name="s",
                                  num_cores=NC, num_subcores=NS)

    @functools.partial(
        pl.kernel,
        out_type=(jax.ShapeDtypeStruct((E, 128), jnp.float32),
                  jax.ShapeDtypeStruct((E, PP), jnp.float32)),
        mesh=mesh,
        scratch_types=(pltpu.VMEM((2, chunk), jnp.int32),
                       pltpu.VMEM((2, chunk), jnp.int32),
                       pltpu.VMEM((chunk, 128), jnp.float32),
                       pltpu.VMEM((chunk, 128), jnp.float32),
                       pltpu.VMEM((chunk, PP), jnp.float32),
                       pltpu.VMEM((chunk, PP), jnp.float32),
                       pltpu.SemaphoreType.DMA,
                       pltpu.SemaphoreType.DMA),
        compiler_params=pltpu.CompilerParams(use_tc_tiling_on_sc=False),
    )
    def k(xr_hbm, pr_hbm, idx2_hbm, xg_hbm, gp_hbm,
          idx_v0, idx_v1, rows0, rows1, prow0, prow1, sg0, sg1):
        wid = lax.axis_index("s") * NC + lax.axis_index("c")
        base0 = wid * e_per_w

        def load_idx(j, dst):
            pltpu.sync_copy(idx2_hbm.at[:, pl.ds(base0 + j * chunk, chunk)], dst)

        def start_g(idxv, rows, prow, sem):
            pltpu.async_copy(xr_hbm.at[idxv.at[0]], rows, sem)
            pltpu.async_copy(pr_hbm.at[idxv.at[1]], prow, sem)

        def wait_g(idxv, rows, prow, sem):
            pltpu.make_async_copy(xr_hbm.at[idxv.at[0]], rows, sem).wait()
            pltpu.make_async_copy(pr_hbm.at[idxv.at[1]], prow, sem).wait()

        def write(j, rows, prow):
            base = base0 + j * chunk
            pltpu.sync_copy(rows, xg_hbm.at[pl.ds(base, chunk)])
            pltpu.sync_copy(prow, gp_hbm.at[pl.ds(base, chunk)])

        load_idx(0, idx_v0)
        start_g(idx_v0, rows0, prow0, sg0)

        def body(i, carry):
            c0 = 2 * i
            load_idx(c0 + 1, idx_v1)
            wait_g(idx_v0, rows0, prow0, sg0)
            start_g(idx_v1, rows1, prow1, sg1)
            write(c0, rows0, prow0)

            @pl.when(c0 + 2 < niters)
            def _():
                load_idx(c0 + 2, idx_v0)
                start_g(idx_v0, rows0, prow0, sg0)

            wait_g(idx_v1, rows1, prow1, sg1)
            write(c0 + 1, rows1, prow1)
            return carry

        lax.fori_loop(0, pairs, body, 0)
        if tail:
            wait_g(idx_v0, rows0, prow0, sg0)
            write(niters - 1, rows0, prow0)

    return k(xr, pr, idx2)


def _tc_body(p_ref, gp_ref, xg_ref, a_ref, w1_ref, b1_ref, w2_ref, b2_ref,
             g1_ref, be1_ref, g2_ref, be2_ref, out_ref):
    B = p_ref.shape[0]
    H1 = w1_ref.shape[1]
    H2 = w2_ref.shape[1]
    C = out_ref.shape[2]
    K = xg_ref.shape[1]
    f32 = jnp.float32
    bf16 = jnp.bfloat16

    y1s = []
    for b in range(B):
        y1 = (jnp.dot(p_ref[b], a_ref[...], preferred_element_type=f32)
              - jnp.dot(gp_ref[b].astype(bf16), w1_ref[...],
                        preferred_element_type=f32)
              + b1_ref[...])
        y1s.append(y1)

    def bn_relu(ys, h, g_ref, be_ref):
        s = sum(jnp.sum(y, axis=1, keepdims=True) for y in ys)
        s2 = sum(jnp.sum(y * y, axis=1, keepdims=True) for y in ys)
        m = s / (B * h)
        var = s2 / (B * h) - m * m
        inv = lax.rsqrt(var + 1e-5)
        scale = inv * g_ref[...]
        shift = be_ref[...] - m * scale
        return [jnp.maximum(y * scale + shift, 0.0) for y in ys]

    y1s = bn_relu(y1s, H1, g1_ref, be1_ref)
    y2s = [jnp.dot(y.astype(bf16), w2_ref[...], preferred_element_type=f32)
           + b2_ref[...]
           for y in y1s]
    y2s = bn_relu(y2s, H2, g2_ref, be2_ref)

    for b in range(B):
        acc = y2s[b][:, 0:C] * xg_ref[b, 0]
        for k in range(1, K):
            acc = acc + y2s[b][:, k * C:(k + 1) * C] * xg_ref[b, k]
        out_ref[b] = acc


def _tc_mlp(p16, gpg, xg, AT, W1pT, b1r, W2T, b2r, g1c, be1c, g2c, be2c, TN):
    B, N, _ = p16.shape
    K = xg.shape[1]
    C = xg.shape[3]
    KP = gpg.shape[2]
    H1 = W1pT.shape[1]
    H2 = W2T.shape[1]
    grid = (N // TN,)
    return pl.pallas_call(
        _tc_body,
        grid=grid,
        in_specs=[
            pl.BlockSpec((B, TN, PP), lambda i: (0, i, 0)),
            pl.BlockSpec((B, TN, KP), lambda i: (0, i, 0)),
            pl.BlockSpec((B, K, TN, C), lambda i: (0, 0, i, 0)),
            pl.BlockSpec((PP, H1), lambda i: (0, 0)),
            pl.BlockSpec((KP, H1), lambda i: (0, 0)),
            pl.BlockSpec((1, H1), lambda i: (0, 0)),
            pl.BlockSpec((H1, H2), lambda i: (0, 0)),
            pl.BlockSpec((1, H2), lambda i: (0, 0)),
            pl.BlockSpec((TN, 1), lambda i: (i, 0)),
            pl.BlockSpec((TN, 1), lambda i: (i, 0)),
            pl.BlockSpec((TN, 1), lambda i: (i, 0)),
            pl.BlockSpec((TN, 1), lambda i: (i, 0)),
        ],
        out_specs=pl.BlockSpec((B, TN, C), lambda i: (0, i, 0)),
        out_shape=jax.ShapeDtypeStruct((B, N, C), jnp.float32),
    )(p16, gpg, xg, AT, W1pT, b1r, W2T, b2r, g1c, be1c, g2c, be2c)


def kernel(x, points, W1, b1, g1, beta1, W2, b2, g2, beta2, indices):
    B, N, C = x.shape
    K = indices.shape[2]
    H1 = W1.shape[0]
    H2 = W2.shape[0]

    pr = jnp.pad(points.reshape(B * N, 3), ((0, 0), (0, PP - 3)))
    idxb = (indices.astype(jnp.int32)
            + (jnp.arange(B, dtype=jnp.int32) * N)[:, None, None])
    idxk = idxb.transpose(0, 2, 1).reshape(B * N * K)
    idxn = idxb.reshape(B * N * K)
    idx2 = jnp.stack([idxk, idxn])

    w1kp = jnp.pad(W1.T.reshape(K, 3, H1), ((0, 0), (0, PP - 3), (0, 0)))
    W1pT = w1kp.reshape(K * PP, H1).astype(jnp.bfloat16)
    AT = jnp.sum(w1kp, axis=0).astype(jnp.bfloat16)
    b1r = b1.reshape(1, H1)
    W2T = W2.T.astype(jnp.bfloat16)
    b2r = b2.reshape(1, H2)
    g1c = g1.reshape(N, 1)
    be1c = beta1.reshape(N, 1)
    g2c = g2.reshape(N, 1)
    be2c = beta2.reshape(N, 1)

    xg, gpp = _sc_gather(x.reshape(B * N, C), pr, idx2, chunk=400)
    xg4 = xg.reshape(B, K, N, C)
    gpr = gpp.reshape(B, N, K * PP)

    p16b = pr.reshape(B, N, PP).astype(jnp.bfloat16)
    out = _tc_mlp(p16b, gpr, xg4, AT, W1pT, b1r, W2T, b2r,
                  g1c, be1c, g2c, be2c, TN=400)
    return (out, points, indices)

# --- scband reference (transcript-rebuilt; emitter-appended) ---
"""Pipeline reference for scband-continuous-convolution-9156870275225 (READ-ONLY COPY).

The authoritative reference and input builder live on the scoring server;
editing this copy changes nothing except your own understanding.
"""

import jax, jax.numpy as jnp
import numpy as np

B, N, K, C = 2, 10000, 16, 128
H1 = (C // 2) * K  # 1024
H2 = C * K         # 2048


def setup_inputs(seed: int = 0) -> dict:
    key = jax.random.key(seed)
    ks = jax.random.split(key, 8)
    x = jax.random.normal(ks[0], (B, N, C), dtype=jnp.float32)
    points = jax.random.normal(ks[1], (B, N, 3), dtype=jnp.float32)
    indices = jax.random.randint(ks[2], (B, N, K), 0, N)
    W1 = jax.random.normal(ks[3], (H1, 3 * K), dtype=jnp.float32) * (1.0 / np.sqrt(3 * K))
    b1 = jnp.zeros((H1,), jnp.float32)
    g1 = jnp.ones((N,), jnp.float32)
    beta1 = jnp.zeros((N,), jnp.float32)
    W2 = jax.random.normal(ks[4], (H2, H1), dtype=jnp.float32) * (1.0 / np.sqrt(H1))
    b2 = jnp.zeros((H2,), jnp.float32)
    g2 = jnp.ones((N,), jnp.float32)
    beta2 = jnp.zeros((N,), jnp.float32)
    return dict(x=x, points=points, W1=W1, b1=b1, g1=g1, beta1=beta1,
                W2=W2, b2=b2, g2=g2, beta2=beta2, indices=indices)


def _bn(y, g, b, eps=1e-5):
    # PyTorch BatchNorm1d(n_number) in training mode on (B, N, F) input:
    # channel dim is dim 1 (size N); normalize over dims (0, 2) with biased var.
    mean = jnp.mean(y, axis=(0, 2), keepdims=True)
    var = jnp.var(y, axis=(0, 2), keepdims=True)
    return (y - mean) / jnp.sqrt(var + eps) * g[None, :, None] + b[None, :, None]


def reference(x, points, W1, b1, g1, beta1, W2, b2, g2, beta2, indices):
    Bv, Nv, Cv = x.shape
    Kv = indices.shape[2]
    bidx = jnp.arange(Bv)[:, None, None]
    # gather neighbor coordinates: B x N x K x 3
    gp = points[bidx, indices]
    y1 = points[:, :, None, :] - gp
    y1 = y1.reshape(Bv, Nv, Kv * 3)
    # MLP: Linear -> BN -> ReLU -> Linear -> BN -> ReLU
    y1 = y1 @ W1.T + b1
    y1 = jax.nn.relu(_bn(y1, g1, beta1))
    y1 = y1 @ W2.T + b2
    y1 = jax.nn.relu(_bn(y1, g2, beta2))
    y1 = y1.reshape(Bv, Nv, Kv, Cv)
    # gather neighbor features: B x N x K x C
    y2 = x[bidx, indices]
    out = jnp.sum(y1 * y2, axis=2)
    return (out, points, indices)

if __name__ == "__main__":
    import jax
    _d = setup_inputs()
    print(jax.jit(kernel)(*tuple(_d.values())))

</pallas_src>

<mosaic_0001>
#map = affine_map<(d0, d1) -> (0, 0)>
module attributes {stable_mosaic.version = 14 : i64} {
  func.func @k(%arg0: i32, %arg1: i32, %arg2: memref<20000x128xf32, #tpu.memory_space<hbm>>, %arg3: memref<20000x16xf32, #tpu.memory_space<hbm>>, %arg4: memref<2x320000xi32, #tpu.memory_space<hbm>>, %arg5: memref<320000x128xf32, #tpu.memory_space<hbm>>, %arg6: memref<320000x16xf32, #tpu.memory_space<hbm>>, %arg7: memref<2x400xi32, #tpu.memory_space<vmem>>, %arg8: memref<2x400xi32, #tpu.memory_space<vmem>>, %arg9: memref<400x128xf32, #tpu.memory_space<vmem>>, %arg10: memref<400x128xf32, #tpu.memory_space<vmem>>, %arg11: memref<400x16xf32, #tpu.memory_space<vmem>>, %arg12: memref<400x16xf32, #tpu.memory_space<vmem>>, %arg13: memref<!tpu.dma_semaphore, #tpu.memory_space<semaphore_mem>>, %arg14: memref<!tpu.dma_semaphore, #tpu.memory_space<semaphore_mem>>) attributes {dimension_semantics = [#tpu.dimension_semantics<core_parallel>, #tpu.dimension_semantics<subcore_parallel>], iteration_bounds = array<i64: 2, 16>, scalar_prefetch = 0 : i64, scratch_operands = 8 : i64, tpu.core_type = #tpu.core_type<sc_vector_subcore>, window_params = [{transform_indices = #map}, {transform_indices = #map}, {transform_indices = #map}, {transform_indices = #map}, {transform_indices = #map}]} {
    %mul3A = arith.constant 2 : i32
    %mul3A_0 = arith.muli %arg1, %mul3A : i32
    %add3A = arith.addi %mul3A_0, %arg0 : i32
    %mul3A_1 = arith.constant 10000 : i32
    %mul3A_2 = arith.muli %add3A, %mul3A_1 : i32
    %add3A_3 = arith.constant 0 : i32
    %add3A_4 = arith.addi %mul3A_2, %add3A_3 : i32
    "tpu.region"() ({
      %run_scoped3A = tpu.sem_alloc : memref<!tpu.dma_semaphore, #tpu.memory_space<semaphore_mem>>
      %dma_start3A_38 = arith.constant 0 : i32
      %dma_start3A_39 = tpu.memref_slice %arg4[%dma_start3A_38, %add3A_4] : memref<2x320000xi32, #tpu.memory_space<hbm>> -> memref<2x400xi32, #tpu.memory_space<hbm>>
      %dma_start3A_40 = arith.constant 0 : i32
      %dma_start3A_41 = tpu.memref_slice %arg4[%dma_start3A_40, %add3A_4] : memref<2x320000xi32, #tpu.memory_space<hbm>> -> memref<2x400xi32, #tpu.memory_space<hbm>>
      tpu.enqueue_dma source(%dma_start3A_41 : memref<2x400xi32, #tpu.memory_space<hbm>>) target(%arg7 : memref<2x400xi32, #tpu.memory_space<vmem>>) target_semaphore(%run_scoped3A : memref<!tpu.dma_semaphore, #tpu.memory_space<semaphore_mem>>)
      %dma_wait3A_42 = arith.constant 0 : i32
      %dma_wait3A_43 = tpu.memref_slice %arg4[%dma_wait3A_42, %add3A_4] : memref<2x320000xi32, #tpu.memory_space<hbm>> -> memref<2x400xi32, #tpu.memory_space<hbm>>
      %dma_wait3A_44 = arith.constant 0 : i32
      %dma_wait3A_45 = tpu.memref_slice %arg4[%dma_wait3A_44, %add3A_4] : memref<2x320000xi32, #tpu.memory_space<hbm>> -> memref<2x400xi32, #tpu.memory_space<hbm>>
      tpu.wait_dma2 semaphore(%run_scoped3A : memref<!tpu.dma_semaphore, #tpu.memory_space<semaphore_mem>>) src(%dma_wait3A_45 : memref<2x400xi32, #tpu.memory_space<hbm>>) dst(%arg7 : memref<2x400xi32, #tpu.memory_space<vmem>>)
      tpu.yield
    }) : () -> ()
    %dma_start3A = arith.constant 0 : i32
    %dma_start3A_5 = arith.constant 0 : i32
    %dma_start3A_6 = tpu.memref_slice %arg7[%dma_start3A, %dma_start3A_5] : memref<2x400xi32, #tpu.memory_space<vmem>> -> memref<1x400xi32, #tpu.memory_space<vmem>>
    %dma_start3A_7 = tpu.memref_squeeze %dma_start3A_6 : memref<1x400xi32, #tpu.memory_space<vmem>> -> memref<400xi32, #tpu.memory_space<vmem>>
    %dma_start3A_8 = arith.constant 0 : i32
    %dma_start3A_9 = arith.constant 0 : i32
    %dma_start3A_10 = tpu.memref_slice %arg2[%dma_start3A_8, %dma_start3A_9] : memref<20000x128xf32, #tpu.memory_space<hbm>> -> memref<20000x128xf32, #tpu.memory_space<hbm>>
    tpu.enqueue_indirect_dma source(%dma_start3A_10 : memref<20000x128xf32, #tpu.memory_space<hbm>>) target(%arg9 : memref<400x128xf32, #tpu.memory_space<vmem>>) offsets(%dma_start3A_7 : memref<400xi32, #tpu.memory_space<vmem>>) semaphore(%arg13 : memref<!tpu.dma_semaphore, #tpu.memory_space<semaphore_mem>>)
    %dma_start3A_11 = arith.constant 1 : i32
    %dma_start3A_12 = arith.constant 0 : i32
    %dma_start3A_13 = tpu.memref_slice %arg7[%dma_start3A_11, %dma_start3A_12] : memref<2x400xi32, #tpu.memory_space<vmem>> -> memref<1x400xi32, #tpu.memory_space<vmem>>
    %dma_start3A_14 = tpu.memref_squeeze %dma_start3A_13 : memref<1x400xi32, #tpu.memory_space<vmem>> -> memref<400xi32, #tpu.memory_space<vmem>>
    %dma_start3A_15 = arith.constant 0 : i32
    %dma_start3A_16 = arith.constant 0 : i32
    %dma_start3A_17 = tpu.memref_slice %arg3[%dma_start3A_15, %dma_start3A_16] : memref<20000x16xf32, #tpu.memory_space<hbm>> -> memref<20000x16xf32, #tpu.memory_space<hbm>>
    tpu.enqueue_indirect_dma source(%dma_start3A_17 : memref<20000x16xf32, #tpu.memory_space<hbm>>) target(%arg11 : memref<400x16xf32, #tpu.memory_space<vmem>>) offsets(%dma_start3A_14 : memref<400xi32, #tpu.memory_space<vmem>>) semaphore(%arg13 : memref<!tpu.dma_semaphore, #tpu.memory_space<semaphore_mem>>)
    %scan3A = arith.constant 0 : i32
    %scan3A_18 = arith.constant 0 : i32
    %scan3A_19 = arith.constant 12 : i32
    %scan3A_20 = arith.addi %scan3A_18, %scan3A_19 : i32
    %scan3A_21 = arith.constant 1 : i32
    scf.for %scan3A_38 = %scan3A_18 to %scan3A_20 step %scan3A_21  : i32 {
      %mul3A_39 = arith.constant 2 : i32
      %mul3A_40 = arith.muli %mul3A_39, %scan3A_38 : i32
      %add3A_41 = arith.constant 1 : i32
      %add3A_42 = arith.addi %mul3A_40, %add3A_41 : i32
      %mul3A_43 = arith.constant 400 : i32
      %mul3A_44 = arith.muli %add3A_42, %mul3A_43 : i32
      %add3A_45 = arith.addi %mul3A_2, %mul3A_44 : i32
      "tpu.region"() ({
        %run_scoped3A = tpu.sem_alloc : memref<!tpu.dma_semaphore, #tpu.memory_space<semaphore_mem>>
        %dma_start3A_100 = arith.constant 0 : i32
        %dma_start3A_101 = tpu.memref_slice %arg4[%dma_start3A_100, %add3A_45] : memref<2x320000xi32, #tpu.memory_space<hbm>> -> memref<2x400xi32, #tpu.memory_space<hbm>>
        %dma_start3A_102 = arith.constant 0 : i32
        %dma_start3A_103 = tpu.memref_slice %arg4[%dma_start3A_102, %add3A_45] : memref<2x320000xi32, #tpu.memory_space<hbm>> -> memref<2x400xi32, #tpu.memory_space<hbm>>
        tpu.enqueue_dma source(%dma_start3A_103 : memref<2x400xi32, #tpu.memory_space<hbm>>) target(%arg8 : memref<2x400xi32, #tpu.memory_space<vmem>>) target_semaphore(%run_scoped3A : memref<!tpu.dma_semaphore, #tpu.memory_space<semaphore_mem>>)
        %dma_wait3A_104 = arith.constant 0 : i32
        %dma_wait3A_105 = tpu.memref_slice %arg4[%dma_wait3A_104, %add3A_45] : memref<2x320000xi32, #tpu.memory_space<hbm>> -> memref<2x400xi32, #tpu.memory_space<hbm>>
        %dma_wait3A_106 = arith.constant 0 : i32
        %dma_wait3A_107 = tpu.memref_slice %arg4[%dma_wait3A_106, %add3A_45] : memref<2x320000xi32, #tpu.memory_space<hbm>> -> memref<2x400xi32, #tpu.memory_space<hbm>>
        tpu.wait_dma2 semaphore(%run_scoped3A : memref<!tpu.dma_semaphore, #tpu.memory_space<semaphore_mem>>) src(%dma_wait3A_107 : memref<2x400xi32, #tpu.memory_space<hbm>>) dst(%arg8 : memref<2x400xi32, #tpu.memory_space<vmem>>)
        tpu.yield
      }) : () -> ()
      %dma_wait3A_46 = arith.constant 0 : i32
      %dma_wait3A_47 = arith.constant 0 : i32
      %dma_wait3A_48 = tpu.memref_slice %arg7[%dma_wait3A_46, %dma_wait3A_47] : memref<2x400xi32, #tpu.memory_space<vmem>> -> memref<1x400xi32, #tpu.memory_space<vmem>>
      %dma_wait3A_49 = tpu.memref_squeeze %dma_wait3A_48 : memref<1x400xi32, #tpu.memory_space<vmem>> -> memref<400xi32, #tpu.memory_space<vmem>>
      %dma_wait3A_50 = arith.constant 0 : i32
      %dma_wait3A_51 = arith.constant 0 : i32
      %dma_wait3A_52 = tpu.memref_slice %arg2[%dma_wait3A_50, %dma_wait3A_51] : memref<20000x128xf32, #tpu.memory_space<hbm>> -> memref<20000x128xf32, #tpu.memory_space<hbm>>
      tpu.wait_indirect_dma semaphore(%arg13 : memref<!tpu.dma_semaphore, #tpu.memory_space<semaphore_mem>>) src(%dma_wait3A_52 : memref<20000x128xf32, #tpu.memory_space<hbm>>) dst(%arg9 : memref<400x128xf32, #tpu.memory_space<vmem>>)
      %dma_wait3A_53 = arith.constant 1 : i32
      %dma_wait3A_54 = arith.constant 0 : i32
      %dma_wait3A_55 = tpu.memref_slice %arg7[%dma_wait3A_53, %dma_wait3A_54] : memref<2x400xi32, #tpu.memory_space<vmem>> -> memref<1x400xi32, #tpu.memory_space<vmem>>
      %dma_wait3A_56 = tpu.memref_squeeze %dma_wait3A_55 : memref<1x400xi32, #tpu.memory_space<vmem>> -> memref<400xi32, #tpu.memory_space<vmem>>
      %dma_wait3A_57 = arith.constant 0 : i32
      %dma_wait3A_58 = arith.constant 0 : i32
      %dma_wait3A_59 = tpu.memref_slice %arg3[%dma_wait3A_57, %dma_wait3A_58] : memref<20000x16xf32, #tpu.memory_space<hbm>> -> memref<20000x16xf32, #tpu.memory_space<hbm>>
      tpu.wait_indirect_dma semaphore(%arg13 : memref<!tpu.dma_semaphore, #tpu.memory_space<semaphore_mem>>) src(%dma_wait3A_59 : memref<20000x16xf32, #tpu.memory_space<hbm>>) dst(%arg11 : memref<400x16xf32, #tpu.memory_space<vmem>>)
      %dma_start3A_60 = arith.constant 0 : i32
      %dma_start3A_61 = arith.constant 0 : i32
      %dma_start3A_62 = tpu.memref_slice %arg8[%dma_start3A_60, %dma_start3A_61] : memref<2x400xi32, #tpu.memory_space<vmem>> -> memref<1x400xi32, #tpu.memory_space<vmem>>
      %dma_start3A_63 = tpu.memref_squeeze %dma_start3A_62 : memref<1x400xi32, #tpu.memory_space<vmem>> -> memref<400xi32, #tpu.memory_space<vmem>>
      %dma_start3A_64 = arith.constant 0 : i32
      %dma_start3A_65 = arith.constant 0 : i32
      %dma_start3A_66 = tpu.memref_slice %arg2[%dma_start3A_64, %dma_start3A_65] : memref<20000x128xf32, #tpu.memory_space<hbm>> -> memref<20000x128xf32, #tpu.memory_space<hbm>>
      tpu.enqueue_indirect_dma source(%dma_start3A_66 : memref<20000x128xf32, #tpu.memory_space<hbm>>) target(%arg10 : memref<400x128xf32, #tpu.memory_space<vmem>>) offsets(%dma_start3A_63 : memref<400xi32, #tpu.memory_space<vmem>>) semaphore(%arg14 : memref<!tpu.dma_semaphore, #tpu.memory_space<semaphore_mem>>)
      %dma_start3A_67 = arith.constant 1 : i32
      %dma_start3A_68 = arith.constant 0 : i32
      %dma_start3A_69 = tpu.memref_slice %arg8[%dma_start3A_67, %dma_start3A_68] : memref<2x400xi32, #tpu.memory_space<vmem>> -> memref<1x400xi32, #tpu.memory_space<vmem>>
      %dma_start3A_70 = tpu.memref_squeeze %dma_start3A_69 : memref<1x400xi32, #tpu.memory_space<vmem>> -> memref<400xi32, #tpu.memory_space<vmem>>
      %dma_start3A_71 = arith.constant 0 : i32
      %dma_start3A_72 = arith.constant 0 : i32
      %dma_start3A_73 = tpu.memref_slice %arg3[%dma_start3A_71, %dma_start3A_72] : memref<20000x16xf32, #tpu.memory_space<hbm>> -> memref<20000x16xf32, #tpu.memory_space<hbm>>
      tpu.enqueue_indirect_dma source(%dma_start3A_73 : memref<20000x16xf32, #tpu.memory_space<hbm>>) target(%arg12 : memref<400x16xf32, #tpu.memory_space<vmem>>) offsets(%dma_start3A_70 : memref<400xi32, #tpu.memory_space<vmem>>) semaphore(%arg14 : memref<!tpu.dma_semaphore, #tpu.memory_space<semaphore_mem>>)
      %mul3A_74 = arith.constant 400 : i32
      %mul3A_75 = arith.muli %mul3A_40, %mul3A_74 : i32
      %add3A_76 = arith.addi %mul3A_2, %mul3A_75 : i32
      "tpu.region"() ({
        %run_scoped3A = tpu.sem_alloc : memref<!tpu.dma_semaphore, #tpu.memory_space<semaphore_mem>>
        %dma_start3A_100 = arith.constant 0 : i32
        %dma_start3A_101 = tpu.memref_slice %arg5[%add3A_76, %dma_start3A_100] : memref<320000x128xf32, #tpu.memory_space<hbm>> -> memref<400x128xf32, #tpu.memory_space<hbm>>
        %dma_start3A_102 = arith.constant 0 : i32
        %dma_start3A_103 = tpu.memref_slice %arg5[%add3A_76, %dma_start3A_102] : memref<320000x128xf32, #tpu.memory_space<hbm>> -> memref<400x128xf32, #tpu.memory_space<hbm>>
        tpu.enqueue_dma source(%arg9 : memref<400x128xf32, #tpu.memory_space<vmem>>) target(%dma_start3A_103 : memref<400x128xf32, #tpu.memory_space<hbm>>) target_semaphore(%run_scoped3A : memref<!tpu.dma_semaphore, #tpu.memory_space<semaphore_mem>>)
        %dma_wait3A_104 = arith.constant 0 : i32
        %dma_wait3A_105 = tpu.memref_slice %arg5[%add3A_76, %dma_wait3A_104] : memref<320000x128xf32, #tpu.memory_space<hbm>> -> memref<400x128xf32, #tpu.memory_space<hbm>>
        %dma_wait3A_106 = arith.constant 0 : i32
        %dma_wait3A_107 = tpu.memref_slice %arg5[%add3A_76, %dma_wait3A_106] : memref<320000x128xf32, #tpu.memory_space<hbm>> -> memref<400x128xf32, #tpu.memory_space<hbm>>
        tpu.wait_dma2 semaphore(%run_scoped3A : memref<!tpu.dma_semaphore, #tpu.memory_space<semaphore_mem>>) src(%arg9 : memref<400x128xf32, #tpu.memory_space<vmem>>) dst(%dma_wait3A_107 : memref<400x128xf32, #tpu.memory_space<hbm>>)
        tpu.yield
      }) : () -> ()
      "tpu.region"() ({
        %run_scoped3A = tpu.sem_alloc : memref<!tpu.dma_semaphore, #tpu.memory_space<semaphore_mem>>
        %dma_start3A_100 = arith.constant 0 : i32
        %dma_start3A_101 = tpu.memref_slice %arg6[%add3A_76, %dma_start3A_100] : memref<320000x16xf32, #tpu.memory_space<hbm>> -> memref<400x16xf32, #tpu.memory_space<hbm>>
        %dma_start3A_102 = arith.constant 0 : i32
        %dma_start3A_103 = tpu.memref_slice %arg6[%add3A_76, %dma_start3A_102] : memref<320000x16xf32, #tpu.memory_space<hbm>> -> memref<400x16xf32, #tpu.memory_space<hbm>>
        tpu.enqueue_dma source(%arg11 : memref<400x16xf32, #tpu.memory_space<vmem>>) target(%dma_start3A_103 : memref<400x16xf32, #tpu.memory_space<hbm>>) target_semaphore(%run_scoped3A : memref<!tpu.dma_semaphore, #tpu.memory_space<semaphore_mem>>)
        %dma_wait3A_104 = arith.constant 0 : i32
        %dma_wait3A_105 = tpu.memref_slice %arg6[%add3A_76, %dma_wait3A_104] : memref<320000x16xf32, #tpu.memory_space<hbm>> -> memref<400x16xf32, #tpu.memory_space<hbm>>
        %dma_wait3A_106 = arith.constant 0 : i32
        %dma_wait3A_107 = tpu.memref_slice %arg6[%add3A_76, %dma_wait3A_106] : memref<320000x16xf32, #tpu.memory_space<hbm>> -> memref<400x16xf32, #tpu.memory_space<hbm>>
        tpu.wait_dma2 semaphore(%run_scoped3A : memref<!tpu.dma_semaphore, #tpu.memory_space<semaphore_mem>>) src(%arg11 : memref<400x16xf32, #tpu.memory_space<vmem>>) dst(%dma_wait3A_107 : memref<400x16xf32, #tpu.memory_space<hbm>>)
        tpu.yield
      }) : () -> ()
      %add3A_77 = arith.constant 2 : i32
      %add3A_78 = arith.addi %mul3A_40, %add3A_77 : i32
      %lt3A = arith.constant 25 : i32
      %lt3A_79 = arith.cmpi slt, %add3A_78, %lt3A : i32
      %convert_element_type3A = arith.extui %lt3A_79 : i1 to i32
      %cond3A = arith.constant 0 : i32
      %cond3A_80 = arith.cmpi ne, %convert_element_type3A, %cond3A : i32
      scf.if %cond3A_80 {
        %add3A_100 = arith.constant 2 : i32
        %add3A_101 = arith.addi %mul3A_40, %add3A_100 : i32
        %mul3A_102 = arith.constant 400 : i32
        %mul3A_103 = arith.muli %add3A_101, %mul3A_102 : i32
        %add3A_104 = arith.addi %mul3A_2, %mul3A_103 : i32
        "tpu.region"() ({
          %run_scoped3A = tpu.sem_alloc : memref<!tpu.dma_semaphore, #tpu.memory_space<semaphore_mem>>
          %dma_start3A_119 = arith.constant 0 : i32
          %dma_start3A_120 = tpu.memref_slice %arg4[%dma_start3A_119, %add3A_104] : memref<2x320000xi32, #tpu.memory_space<hbm>> -> memref<2x400xi32, #tpu.memory_space<hbm>>
          %dma_start3A_121 = arith.constant 0 : i32
          %dma_start3A_122 = tpu.memref_slice %arg4[%dma_start3A_121, %add3A_104] : memref<2x320000xi32, #tpu.memory_space<hbm>> -> memref<2x400xi32, #tpu.memory_space<hbm>>
          tpu.enqueue_dma source(%dma_start3A_122 : memref<2x400xi32, #tpu.memory_space<hbm>>) target(%arg7 : memref<2x400xi32, #tpu.memory_space<vmem>>) target_semaphore(%run_scoped3A : memref<!tpu.dma_semaphore, #tpu.memory_space<semaphore_mem>>)
          %dma_wait3A_123 = arith.constant 0 : i32
          %dma_wait3A_124 = tpu.memref_slice %arg4[%dma_wait3A_123, %add3A_104] : memref<2x320000xi32, #tpu.memory_space<hbm>> -> memref<2x400xi32, #tpu.memory_space<hbm>>
          %dma_wait3A_125 = arith.constant 0 : i32
          %dma_wait3A_126 = tpu.memref_slice %arg4[%dma_wait3A_125, %add3A_104] : memref<2x320000xi32, #tpu.memory_space<hbm>> -> memref<2x400xi32, #tpu.memory_space<hbm>>
          tpu.wait_dma2 semaphore(%run_scoped3A : memref<!tpu.dma_semaphore, #tpu.memory_space<semaphore_mem>>) src(%dma_wait3A_126 : memref<2x400xi32, #tpu.memory_space<hbm>>) dst(%arg7 : memref<2x400xi32, #tpu.memory_space<vmem>>)
          tpu.yield
        }) : () -> ()
        %dma_start3A_105 = arith.constant 0 : i32
        %dma_start3A_106 = arith.constant 0 : i32
        %dma_start3A_107 = tpu.memref_slice %arg7[%dma_start3A_105, %dma_start3A_106] : memref<2x400xi32, #tpu.memory_space<vmem>> -> memref<1x400xi32, #tpu.memory_space<vmem>>
        %dma_start3A_108 = tpu.memref_squeeze %dma_start3A_107 : memref<1x400xi32, #tpu.memory_space<vmem>> -> memref<400xi32, #tpu.memory_space<vmem>>
        %dma_start3A_109 = arith.constant 0 : i32
        %dma_start3A_110 = arith.constant 0 : i32
        %dma_start3A_111 = tpu.memref_slice %arg2[%dma_start3A_109, %dma_start3A_110] : memref<20000x128xf32, #tpu.memory_space<hbm>> -> memref<20000x128xf32, #tpu.memory_space<hbm>>
        tpu.enqueue_indirect_dma source(%dma_start3A_111 : memref<20000x128xf32, #tpu.memory_space<hbm>>) target(%arg9 : memref<400x128xf32, #tpu.memory_space<vmem>>) offsets(%dma_start3A_108 : memref<400xi32, #tpu.memory_space<vmem>>) semaphore(%arg13 : memref<!tpu.dma_semaphore, #tpu.memory_space<semaphore_mem>>)
        %dma_start3A_112 = arith.constant 1 : i32
        %dma_start3A_113 = arith.constant 0 : i32
        %dma_start3A_114 = tpu.memref_slice %arg7[%dma_start3A_112, %dma_start3A_113] : memref<2x400xi32, #tpu.memory_space<vmem>> -> memref<1x400xi32, #tpu.memory_space<vmem>>
        %dma_start3A_115 = tpu.memref_squeeze %dma_start3A_114 : memref<1x400xi32, #tpu.memory_space<vmem>> -> memref<400xi32, #tpu.memory_space<vmem>>
        %dma_start3A_116 = arith.constant 0 : i32
        %dma_start3A_117 = arith.constant 0 : i32
        %dma_start3A_118 = tpu.memref_slice %arg3[%dma_start3A_116, %dma_start3A_117] : memref<20000x16xf32, #tpu.memory_space<hbm>> -> memref<20000x16xf32, #tpu.memory_space<hbm>>
        tpu.enqueue_indirect_dma source(%dma_start3A_118 : memref<20000x16xf32, #tpu.memory_space<hbm>>) target(%arg11 : memref<400x16xf32, #tpu.memory_space<vmem>>) offsets(%dma_start3A_115 : memref<400xi32, #tpu.memory_space<vmem>>) semaphore(%arg13 : memref<!tpu.dma_semaphore, #tpu.memory_space<semaphore_mem>>)
      } else {
      }
      %dma_wait3A_81 = arith.constant 0 : i32
      %dma_wait3A_82 = arith.constant 0 : i32
      %dma_wait3A_83 = tpu.memref_slice %arg8[%dma_wait3A_81, %dma_wait3A_82] : memref<2x400xi32, #tpu.memory_space<vmem>> -> memref<1x400xi32, #tpu.memory_space<vmem>>
      %dma_wait3A_84 = tpu.memref_squeeze %dma_wait3A_83 : memref<1x400xi32, #tpu.memory_space<vmem>> -> memref<400xi32, #tpu.memory_space<vmem>>
      %dma_wait3A_85 = arith.constant 0 : i32
      %dma_wait3A_86 = arith.constant 0 : i32
      %dma_wait3A_87 = tpu.memref_slice %arg2[%dma_wait3A_85, %dma_wait3A_86] : memref<20000x128xf32, #tpu.memory_space<hbm>> -> memref<20000x128xf32, #tpu.memory_space<hbm>>
      tpu.wait_indirect_dma semaphore(%arg14 : memref<!tpu.dma_semaphore, #tpu.memory_space<semaphore_mem>>) src(%dma_wait3A_87 : memref<20000x128xf32, #tpu.memory_space<hbm>>) dst(%arg10 : memref<400x128xf32, #tpu.memory_space<vmem>>)
      %dma_wait3A_88 = arith.constant 1 : i32
      %dma_wait3A_89 = arith.constant 0 : i32
      %dma_wait3A_90 = tpu.memref_slice %arg8[%dma_wait3A_88, %dma_wait3A_89] : memref<2x400xi32, #tpu.memory_space<vmem>> -> memref<1x400xi32, #tpu.memory_space<vmem>>
      %dma_wait3A_91 = tpu.memref_squeeze %dma_wait3A_90 : memref<1x400xi32, #tpu.memory_space<vmem>> -> memref<400xi32, #tpu.memory_space<vmem>>
      %dma_wait3A_92 = arith.constant 0 : i32
      %dma_wait3A_93 = arith.constant 0 : i32
      %dma_wait3A_94 = tpu.memref_slice %arg3[%dma_wait3A_92, %dma_wait3A_93] : memref<20000x16xf32, #tpu.memory_space<hbm>> -> memref<20000x16xf32, #tpu.memory_space<hbm>>
      tpu.wait_indirect_dma semaphore(%arg14 : memref<!tpu.dma_semaphore, #tpu.memory_space<semaphore_mem>>) src(%dma_wait3A_94 : memref<20000x16xf32, #tpu.memory_space<hbm>>) dst(%arg12 : memref<400x16xf32, #tpu.memory_space<vmem>>)
      %add3A_95 = arith.constant 1 : i32
      %add3A_96 = arith.addi %mul3A_40, %add3A_95 : i32
      %mul3A_97 = arith.constant 400 : i32
      %mul3A_98 = arith.muli %add3A_96, %mul3A_97 : i32
      %add3A_99 = arith.addi %mul3A_2, %mul3A_98 : i32
      "tpu.region"() ({
        %run_scoped3A = tpu.sem_alloc : memref<!tpu.dma_semaphore, #tpu.memory_space<semaphore_mem>>
        %dma_start3A_100 = arith.constant 0 : i32
        %dma_start3A_101 = tpu.memref_slice %arg5[%add3A_99, %dma_start3A_100] : memref<320000x128xf32, #tpu.memory_space<hbm>> -> memref<400x128xf32, #tpu.memory_space<hbm>>
        %dma_start3A_102 = arith.constant 0 : i32
        %dma_start3A_103 = tpu.memref_slice %arg5[%add3A_99, %dma_start3A_102] : memref<320000x128xf32, #tpu.memory_space<hbm>> -> memref<400x128xf32, #tpu.memory_space<hbm>>
        tpu.enqueue_dma source(%arg10 : memref<400x128xf32, #tpu.memory_space<vmem>>) target(%dma_start3A_103 : memref<400x128xf32, #tpu.memory_space<hbm>>) target_semaphore(%run_scoped3A : memref<!tpu.dma_semaphore, #tpu.memory_space<semaphore_mem>>)
        %dma_wait3A_104 = arith.constant 0 : i32
        %dma_wait3A_105 = tpu.memref_slice %arg5[%add3A_99, %dma_wait3A_104] : memref<320000x128xf32, #tpu.memory_space<hbm>> -> memref<400x128xf32, #tpu.memory_space<hbm>>
        %dma_wait3A_106 = arith.constant 0 : i32
        %dma_wait3A_107 = tpu.memref_slice %arg5[%add3A_99, %dma_wait3A_106] : memref<320000x128xf32, #tpu.memory_space<hbm>> -> memref<400x128xf32, #tpu.memory_space<hbm>>
        tpu.wait_dma2 semaphore(%run_scoped3A : memref<!tpu.dma_semaphore, #tpu.memory_space<semaphore_mem>>) src(%arg10 : memref<400x128xf32, #tpu.memory_space<vmem>>) dst(%dma_wait3A_107 : memref<400x128xf32, #tpu.memory_space<hbm>>)
        tpu.yield
      }) : () -> ()
      "tpu.region"() ({
        %run_scoped3A = tpu.sem_alloc : memref<!tpu.dma_semaphore, #tpu.memory_space<semaphore_mem>>
        %dma_start3A_100 = arith.constant 0 : i32
        %dma_start3A_101 = tpu.memref_slice %arg6[%add3A_99, %dma_start3A_100] : memref<320000x16xf32, #tpu.memory_space<hbm>> -> memref<400x16xf32, #tpu.memory_space<hbm>>
        %dma_start3A_102 = arith.constant 0 : i32
        %dma_start3A_103 = tpu.memref_slice %arg6[%add3A_99, %dma_start3A_102] : memref<320000x16xf32, #tpu.memory_space<hbm>> -> memref<400x16xf32, #tpu.memory_space<hbm>>
        tpu.enqueue_dma source(%arg12 : memref<400x16xf32, #tpu.memory_space<vmem>>) target(%dma_start3A_103 : memref<400x16xf32, #tpu.memory_space<hbm>>) target_semaphore(%run_scoped3A : memref<!tpu.dma_semaphore, #tpu.memory_space<semaphore_mem>>)
        %dma_wait3A_104 = arith.constant 0 : i32
        %dma_wait3A_105 = tpu.memref_slice %arg6[%add3A_99, %dma_wait3A_104] : memref<320000x16xf32, #tpu.memory_space<hbm>> -> memref<400x16xf32, #tpu.memory_space<hbm>>
        %dma_wait3A_106 = arith.constant 0 : i32
        %dma_wait3A_107 = tpu.memref_slice %arg6[%add3A_99, %dma_wait3A_106] : memref<320000x16xf32, #tpu.memory_space<hbm>> -> memref<400x16xf32, #tpu.memory_space<hbm>>
        tpu.wait_dma2 semaphore(%run_scoped3A : memref<!tpu.dma_semaphore, #tpu.memory_space<semaphore_mem>>) src(%arg12 : memref<400x16xf32, #tpu.memory_space<vmem>>) dst(%dma_wait3A_107 : memref<400x16xf32, #tpu.memory_space<hbm>>)
        tpu.yield
      }) : () -> ()
    }
    %scan3A_22 = arith.constant 12 : i32
    %dma_wait3A = arith.constant 0 : i32
    %dma_wait3A_23 = arith.constant 0 : i32
    %dma_wait3A_24 = tpu.memref_slice %arg7[%dma_wait3A, %dma_wait3A_23] : memref<2x400xi32, #tpu.memory_space<vmem>> -> memref<1x400xi32, #tpu.memory_space<vmem>>
    %dma_wait3A_25 = tpu.memref_squeeze %dma_wait3A_24 : memref<1x400xi32, #tpu.memory_space<vmem>> -> memref<400xi32, #tpu.memory_space<vmem>>
    %dma_wait3A_26 = arith.constant 0 : i32
    %dma_wait3A_27 = arith.constant 0 : i32
    %dma_wait3A_28 = tpu.memref_slice %arg2[%dma_wait3A_26, %dma_wait3A_27] : memref<20000x128xf32, #tpu.memory_space<hbm>> -> memref<20000x128xf32, #tpu.memory_space<hbm>>
    tpu.wait_indirect_dma semaphore(%arg13 : memref<!tpu.dma_semaphore, #tpu.memory_space<semaphore_mem>>) src(%dma_wait3A_28 : memref<20000x128xf32, #tpu.memory_space<hbm>>) dst(%arg9 : memref<400x128xf32, #tpu.memory_space<vmem>>)
    %dma_wait3A_29 = arith.constant 1 : i32
    %dma_wait3A_30 = arith.constant 0 : i32
    %dma_wait3A_31 = tpu.memref_slice %arg7[%dma_wait3A_29, %dma_wait3A_30] : memref<2x400xi32, #tpu.memory_space<vmem>> -> memref<1x400xi32, #tpu.memory_space<vmem>>
    %dma_wait3A_32 = tpu.memref_squeeze %dma_wait3A_31 : memref<1x400xi32, #tpu.memory_space<vmem>> -> memref<400xi32, #tpu.memory_space<vmem>>
    %dma_wait3A_33 = arith.constant 0 : i32
    %dma_wait3A_34 = arith.constant 0 : i32
    %dma_wait3A_35 = tpu.memref_slice %arg3[%dma_wait3A_33, %dma_wait3A_34] : memref<20000x16xf32, #tpu.memory_space<hbm>> -> memref<20000x16xf32, #tpu.memory_space<hbm>>
    tpu.wait_indirect_dma semaphore(%arg13 : memref<!tpu.dma_semaphore, #tpu.memory_space<semaphore_mem>>) src(%dma_wait3A_35 : memref<20000x16xf32, #tpu.memory_space<hbm>>) dst(%arg11 : memref<400x16xf32, #tpu.memory_space<vmem>>)
    %add3A_36 = arith.constant 9600 : i32
    %add3A_37 = arith.addi %mul3A_2, %add3A_36 : i32
    "tpu.region"() ({
      %run_scoped3A = tpu.sem_alloc : memref<!tpu.dma_semaphore, #tpu.memory_space<semaphore_mem>>
      %dma_start3A_38 = arith.constant 0 : i32
      %dma_start3A_39 = tpu.memref_slice %arg5[%add3A_37, %dma_start3A_38] : memref<320000x128xf32, #tpu.memory_space<hbm>> -> memref<400x128xf32, #tpu.memory_space<hbm>>
      %dma_start3A_40 = arith.constant 0 : i32
      %dma_start3A_41 = tpu.memref_slice %arg5[%add3A_37, %dma_start3A_40] : memref<320000x128xf32, #tpu.memory_space<hbm>> -> memref<400x128xf32, #tpu.memory_space<hbm>>
      tpu.enqueue_dma source(%arg9 : memref<400x128xf32, #tpu.memory_space<vmem>>) target(%dma_start3A_41 : memref<400x128xf32, #tpu.memory_space<hbm>>) target_semaphore(%run_scoped3A : memref<!tpu.dma_semaphore, #tpu.memory_space<semaphore_mem>>)
      %dma_wait3A_42 = arith.constant 0 : i32
      %dma_wait3A_43 = tpu.memref_slice %arg5[%add3A_37, %dma_wait3A_42] : memref<320000x128xf32, #tpu.memory_space<hbm>> -> memref<400x128xf32, #tpu.memory_space<hbm>>
      %dma_wait3A_44 = arith.constant 0 : i32
      %dma_wait3A_45 = tpu.memref_slice %arg5[%add3A_37, %dma_wait3A_44] : memref<320000x128xf32, #tpu.memory_space<hbm>> -> memref<400x128xf32, #tpu.memory_space<hbm>>
      tpu.wait_dma2 semaphore(%run_scoped3A : memref<!tpu.dma_semaphore, #tpu.memory_space<semaphore_mem>>) src(%arg9 : memref<400x128xf32, #tpu.memory_space<vmem>>) dst(%dma_wait3A_45 : memref<400x128xf32, #tpu.memory_space<hbm>>)
      tpu.yield
    }) : () -> ()
    "tpu.region"() ({
      %run_scoped3A = tpu.sem_alloc : memref<!tpu.dma_semaphore, #tpu.memory_space<semaphore_mem>>
      %dma_start3A_38 = arith.constant 0 : i32
      %dma_start3A_39 = tpu.memref_slice %arg6[%add3A_37, %dma_start3A_38] : memref<320000x16xf32, #tpu.memory_space<hbm>> -> memref<400x16xf32, #tpu.memory_space<hbm>>
      %dma_start3A_40 = arith.constant 0 : i32
      %dma_start3A_41 = tpu.memref_slice %arg6[%add3A_37, %dma_start3A_40] : memref<320000x16xf32, #tpu.memory_space<hbm>> -> memref<400x16xf32, #tpu.memory_space<hbm>>
      tpu.enqueue_dma source(%arg11 : memref<400x16xf32, #tpu.memory_space<vmem>>) target(%dma_start3A_41 : memref<400x16xf32, #tpu.memory_space<hbm>>) target_semaphore(%run_scoped3A : memref<!tpu.dma_semaphore, #tpu.memory_space<semaphore_mem>>)
      %dma_wait3A_42 = arith.constant 0 : i32
      %dma_wait3A_43 = tpu.memref_slice %arg6[%add3A_37, %dma_wait3A_42] : memref<320000x16xf32, #tpu.memory_space<hbm>> -> memref<400x16xf32, #tpu.memory_space<hbm>>
      %dma_wait3A_44 = arith.constant 0 : i32
      %dma_wait3A_45 = tpu.memref_slice %arg6[%add3A_37, %dma_wait3A_44] : memref<320000x16xf32, #tpu.memory_space<hbm>> -> memref<400x16xf32, #tpu.memory_space<hbm>>
      tpu.wait_dma2 semaphore(%run_scoped3A : memref<!tpu.dma_semaphore, #tpu.memory_space<semaphore_mem>>) src(%arg11 : memref<400x16xf32, #tpu.memory_space<vmem>>) dst(%dma_wait3A_45 : memref<400x16xf32, #tpu.memory_space<hbm>>)
      tpu.yield
    }) : () -> ()
    return
  }
}

module attributes {stable_mosaic.version = 14 : i64} {
  func.func @_tc_body(%arg0: i32, %arg1: memref<2x400x16xbf16, #tpu.memory_space<vmem>>, %arg2: memref<2x400x256xf32, #tpu.memory_space<vmem>>, %arg3: memref<2x16x400x128xf32, #tpu.memory_space<vmem>>, %arg4: memref<16x1024xbf16, #tpu.memory_space<vmem>>, %arg5: memref<256x1024xbf16, #tpu.memory_space<vmem>>, %arg6: memref<1x1024xf32, #tpu.memory_space<vmem>>, %arg7: memref<1024x2048xbf16, #tpu.memory_space<vmem>>, %arg8: memref<1x2048xf32, #tpu.memory_space<vmem>>, %arg9: memref<400x1xf32, #tpu.memory_space<vmem>>, %arg10: memref<400x1xf32, #tpu.memory_space<vmem>>, %arg11: memref<400x1xf32, #tpu.memory_space<vmem>>, %arg12: memref<400x1xf32, #tpu.memory_space<vmem>>, %arg13: memref<2x400x128xf32, #tpu.memory_space<vmem>>) attributes {dimension_semantics = [#tpu.dimension_semantics<arbitrary>], iteration_bounds = array<i64: 25>, scalar_prefetch = 0 : i64, scratch_operands = 0 : i64, tpu.core_type = #tpu.core_type<tc>, window_params = [{transform_indices = @transform_0, window_bounds = array<i64: 2, 400, 16>}, {transform_indices = @transform_1, window_bounds = array<i64: 2, 400, 256>}, {transform_indices = @transform_2, window_bounds = array<i64: 2, 16, 400, 128>}, {pipeline_mode = #tpu.pipeline_mode<synchronous>, transform_indices = @transform_3, window_bounds = array<i64: 16, 1024>}, {pipeline_mode = #tpu.pipeline_mode<synchronous>, transform_indices = @transform_4, window_bounds = array<i64: 256, 1024>}, {pipeline_mode = #tpu.pipeline_mode<synchronous>, transform_indices = @transform_5, window_bounds = array<i64: 1, 1024>}, {pipeline_mode = #tpu.pipeline_mode<synchronous>, transform_indices = @transform_6, window_bounds = array<i64: 1024, 2048>}, {pipeline_mode = #tpu.pipeline_mode<synchronous>, transform_indices = @transform_7, window_bounds = array<i64: 1, 2048>}, {transform_indices = @transform_8, window_bounds = array<i64: 400, 1>}, {transform_indices = @transform_9, window_bounds = array<i64: 400, 1>}, {transform_indices = @transform_10, window_bounds = array<i64: 400, 1>}, {transform_indices = @transform_11, window_bounds = array<i64: 400, 1>}, {transform_indices = @transform_12, window_bounds = array<i64: 2, 400, 128>}]} {
    %get3A = arith.constant 0 : index
    %get3A_0 = arith.constant 0 : index
    %get3A_1 = arith.constant 0 : index
    %get3A_2 = vector.load %arg1[%get3A, %get3A_0, %get3A_1] : memref<2x400x16xbf16, #tpu.memory_space<vmem>>, vector<1x400x16xbf16>
    %get3A_3 = vector.shape_cast %get3A_2 : vector<1x400x16xbf16> to vector<400x16xbf16>
    %get3A_4 = arith.constant 0 : index
    %get3A_5 = arith.constant 0 : index
    %get3A_6 = vector.load %arg4[%get3A_4, %get3A_5] : memref<16x1024xbf16, #tpu.memory_space<vmem>>, vector<16x1024xbf16>
    %dot_general3A = arith.constant dense<0.000000e+00> : vector<400x1024xf32>
    %dot_general3A_7 = tpu.matmul %get3A_3, %get3A_6, %dot_general3A {dimension_numbers = #tpu.dot_dimension_numbers<[1], [0], [0], [1], [0, 0, 1, 1], [], []>, transpose_lhs_hint = false} : vector<400x16xbf16>, vector<16x1024xbf16>, vector<400x1024xf32> -> vector<400x1024xf32>
    %get3A_8 = arith.constant 0 : index
    %get3A_9 = arith.constant 0 : index
    %get3A_10 = arith.constant 0 : index
    %get3A_11 = vector.load %arg2[%get3A_8, %get3A_9, %get3A_10] : memref<2x400x256xf32, #tpu.memory_space<vmem>>, vector<1x400x256xf32>
    %get3A_12 = vector.shape_cast %get3A_11 : vector<1x400x256xf32> to vector<400x256xf32>
    %convert_element_type3A = arith.truncf %get3A_12 : vector<400x256xf32> to vector<400x256xbf16>
    %get3A_13 = arith.constant 0 : index
    %get3A_14 = arith.constant 0 : index
    %get3A_15 = vector.load %arg5[%get3A_13, %get3A_14] : memref<256x1024xbf16, #tpu.memory_space<vmem>>, vector<256x1024xbf16>
    %dot_general3A_16 = arith.constant dense<0.000000e+00> : vector<400x1024xf32>
    %dot_general3A_17 = tpu.matmul %convert_element_type3A, %get3A_15, %dot_general3A_16 {dimension_numbers = #tpu.dot_dimension_numbers<[1], [0], [0], [1], [0, 0, 1, 1], [], []>, transpose_lhs_hint = false} : vector<400x256xbf16>, vector<256x1024xbf16>, vector<400x1024xf32> -> vector<400x1024xf32>
    %sub3A = arith.subf %dot_general3A_7, %dot_general3A_17 : vector<400x1024xf32>
    %get3A_18 = arith.constant 0 : index
    %get3A_19 = arith.constant 0 : index
    %get3A_20 = vector.load %arg6[%get3A_18, %get3A_19] : memref<1x1024xf32, #tpu.memory_space<vmem>>, vector<1x1024xf32>
    %add3A = vector.broadcast %get3A_20 : vector<1x1024xf32> to vector<400x1024xf32>
    %add3A_21 = arith.addf %sub3A, %add3A : vector<400x1024xf32>
    %get3A_22 = arith.constant 1 : index
    %get3A_23 = arith.constant 0 : index
    %get3A_24 = arith.constant 0 : index
    %get3A_25 = vector.load %arg1[%get3A_22, %get3A_23, %get3A_24] : memref<2x400x16xbf16, #tpu.memory_space<vmem>>, vector<1x400x16xbf16>
    %get3A_26 = vector.shape_cast %get3A_25 : vector<1x400x16xbf16> to vector<400x16xbf16>
    %get3A_27 = arith.constant 0 : index
    %get3A_28 = arith.constant 0 : index
    %get3A_29 = vector.load %arg4[%get3A_27, %get3A_28] : memref<16x1024xbf16, #tpu.memory_space<vmem>>, vector<16x1024xbf16>
    %dot_general3A_30 = arith.constant dense<0.000000e+00> : vector<400x1024xf32>
    %dot_general3A_31 = tpu.matmul %get3A_26, %get3A_29, %dot_general3A_30 {dimension_numbers = #tpu.dot_dimension_numbers<[1], [0], [0], [1], [0, 0, 1, 1], [], []>, transpose_lhs_hint = false} : vector<400x16xbf16>, vector<16x1024xbf16>, vector<400x1024xf32> -> vector<400x1024xf32>
    %get3A_32 = arith.constant 1 : index
    %get3A_33 = arith.constant 0 : index
    %get3A_34 = arith.constant 0 : index
    %get3A_35 = vector.load %arg2[%get3A_32, %get3A_33, %get3A_34] : memref<2x400x256xf32, #tpu.memory_space<vmem>>, vector<1x400x256xf32>
    %get3A_36 = vector.shape_cast %get3A_35 : vector<1x400x256xf32> to vector<400x256xf32>
    %convert_element_type3A_37 = arith.truncf %get3A_36 : vector<400x256xf32> to vector<400x256xbf16>
    %get3A_38 = arith.constant 0 : index
    %get3A_39 = arith.constant 0 : index
    %get3A_40 = vector.load %arg5[%get3A_38, %get3A_39] : memref<256x1024xbf16, #tpu.memory_space<vmem>>, vector<256x1024xbf16>
    %dot_general3A_41 = arith.constant dense<0.000000e+00> : vector<400x1024xf32>
    %dot_general3A_42 = tpu.matmul %convert_element_type3A_37, %get3A_40, %dot_general3A_41 {dimension_numbers = #tpu.dot_dimension_numbers<[1], [0], [0], [1], [0, 0, 1, 1], [], []>, transpose_lhs_hint = false} : vector<400x256xbf16>, vector<256x1024xbf16>, vector<400x1024xf32> -> vector<400x1024xf32>
    %sub3A_43 = arith.subf %dot_general3A_31, %dot_general3A_42 : vector<400x1024xf32>
    %get3A_44 = arith.constant 0 : index
    %get3A_45 = arith.constant 0 : index
    %get3A_46 = vector.load %arg6[%get3A_44, %get3A_45] : memref<1x1024xf32, #tpu.memory_space<vmem>>, vector<1x1024xf32>
    %add3A_47 = vector.broadcast %get3A_46 : vector<1x1024xf32> to vector<400x1024xf32>
    %add3A_48 = arith.addf %sub3A_43, %add3A_47 : vector<400x1024xf32>
    %reduce_sum3A = arith.constant dense<0.000000e+00> : vector<400xf32>
    %reduce_sum3A_49 = vector.multi_reduction <add>, %add3A_21, %reduce_sum3A [1] : vector<400x1024xf32> to vector<400xf32>
    %broadcast_in_dim3A = vector.shape_cast %reduce_sum3A_49 : vector<400xf32> to vector<400x1xf32>
    %add3A_50 = arith.constant 0.000000e+00 : f32
    %add3A_51 = vector.broadcast %add3A_50 : f32 to vector<400x1xf32>
    %add3A_52 = arith.addf %add3A_51, %broadcast_in_dim3A : vector<400x1xf32>
    %reduce_sum3A_53 = arith.constant dense<0.000000e+00> : vector<400xf32>
    %reduce_sum3A_54 = vector.multi_reduction <add>, %add3A_48, %reduce_sum3A_53 [1] : vector<400x1024xf32> to vector<400xf32>
    %broadcast_in_dim3A_55 = vector.shape_cast %reduce_sum3A_54 : vector<400xf32> to vector<400x1xf32>
    %add3A_56 = arith.addf %add3A_52, %broadcast_in_dim3A_55 : vector<400x1xf32>
    %mul3A = arith.mulf %add3A_21, %add3A_21 : vector<400x1024xf32>
    %reduce_sum3A_57 = arith.constant dense<0.000000e+00> : vector<400xf32>
    %reduce_sum3A_58 = vector.multi_reduction <add>, %mul3A, %reduce_sum3A_57 [1] : vector<400x1024xf32> to vector<400xf32>
    %broadcast_in_dim3A_59 = vector.shape_cast %reduce_sum3A_58 : vector<400xf32> to vector<400x1xf32>
    %add3A_60 = arith.constant 0.000000e+00 : f32
    %add3A_61 = vector.broadcast %add3A_60 : f32 to vector<400x1xf32>
    %add3A_62 = arith.addf %add3A_61, %broadcast_in_dim3A_59 : vector<400x1xf32>
    %mul3A_63 = arith.mulf %add3A_48, %add3A_48 : vector<400x1024xf32>
    %reduce_sum3A_64 = arith.constant dense<0.000000e+00> : vector<400xf32>
    %reduce_sum3A_65 = vector.multi_reduction <add>, %mul3A_63, %reduce_sum3A_64 [1] : vector<400x1024xf32> to vector<400xf32>
    %broadcast_in_dim3A_66 = vector.shape_cast %reduce_sum3A_65 : vector<400xf32> to vector<400x1xf32>
    %add3A_67 = arith.addf %add3A_62, %broadcast_in_dim3A_66 : vector<400x1xf32>
    %div3A = arith.constant 2.048000e+03 : f32
    %div3A_68 = vector.broadcast %div3A : f32 to vector<400x1xf32>
    %div3A_69 = arith.divf %add3A_56, %div3A_68 : vector<400x1xf32>
    %div3A_70 = arith.constant 2.048000e+03 : f32
    %div3A_71 = vector.broadcast %div3A_70 : f32 to vector<400x1xf32>
    %div3A_72 = arith.divf %add3A_67, %div3A_71 : vector<400x1xf32>
    %mul3A_73 = arith.mulf %div3A_69, %div3A_69 : vector<400x1xf32>
    %sub3A_74 = arith.subf %div3A_72, %mul3A_73 : vector<400x1xf32>
    %add3A_75 = arith.constant 9.99999974E-6 : f32
    %add3A_76 = vector.broadcast %add3A_75 : f32 to vector<400x1xf32>
    %add3A_77 = arith.addf %sub3A_74, %add3A_76 : vector<400x1xf32>
    %rsqrt3A = math.rsqrt %add3A_77 : vector<400x1xf32>
    %get3A_78 = arith.constant 0 : index
    %get3A_79 = arith.constant 0 : index
    %get3A_80 = vector.load %arg9[%get3A_78, %get3A_79] : memref<400x1xf32, #tpu.memory_space<vmem>>, vector<400x1xf32>
    %mul3A_81 = arith.mulf %rsqrt3A, %get3A_80 : vector<400x1xf32>
    %get3A_82 = arith.constant 0 : index
    %get3A_83 = arith.constant 0 : index
    %get3A_84 = vector.load %arg10[%get3A_82, %get3A_83] : memref<400x1xf32, #tpu.memory_space<vmem>>, vector<400x1xf32>
    %mul3A_85 = arith.mulf %div3A_69, %mul3A_81 : vector<400x1xf32>
    %sub3A_86 = arith.subf %get3A_84, %mul3A_85 : vector<400x1xf32>
    %mul3A_87 = vector.broadcast %mul3A_81 : vector<400x1xf32> to vector<400x1024xf32>
    %mul3A_88 = arith.mulf %add3A_21, %mul3A_87 : vector<400x1024xf32>
    %add3A_89 = vector.broadcast %sub3A_86 : vector<400x1xf32> to vector<400x1024xf32>
    %add3A_90 = arith.addf %mul3A_88, %add3A_89 : vector<400x1024xf32>
    %max3A = arith.constant 0.000000e+00 : f32
    %max3A_91 = vector.broadcast %max3A : f32 to vector<400x1024xf32>
    %max3A_92 = arith.maximumf %add3A_90, %max3A_91 : vector<400x1024xf32>
    %mul3A_93 = vector.broadcast %mul3A_81 : vector<400x1xf32> to vector<400x1024xf32>
    %mul3A_94 = arith.mulf %add3A_48, %mul3A_93 : vector<400x1024xf32>
    %add3A_95 = vector.broadcast %sub3A_86 : vector<400x1xf32> to vector<400x1024xf32>
    %add3A_96 = arith.addf %mul3A_94, %add3A_95 : vector<400x1024xf32>
    %max3A_97 = arith.constant 0.000000e+00 : f32
    %max3A_98 = vector.broadcast %max3A_97 : f32 to vector<400x1024xf32>
    %max3A_99 = arith.maximumf %add3A_96, %max3A_98 : vector<400x1024xf32>
    %convert_element_type3A_100 = arith.truncf %max3A_92 : vector<400x1024xf32> to vector<400x1024xbf16>
    %get3A_101 = arith.constant 0 : index
    %get3A_102 = arith.constant 0 : index
    %get3A_103 = vector.load %arg7[%get3A_101, %get3A_102] : memref<1024x2048xbf16, #tpu.memory_space<vmem>>, vector<1024x2048xbf16>
    %dot_general3A_104 = arith.constant dense<0.000000e+00> : vector<400x2048xf32>
    %dot_general3A_105 = tpu.matmul %convert_element_type3A_100, %get3A_103, %dot_general3A_104 {dimension_numbers = #tpu.dot_dimension_numbers<[1], [0], [0], [1], [0, 0, 1, 1], [], []>, transpose_lhs_hint = false} : vector<400x1024xbf16>, vector<1024x2048xbf16>, vector<400x2048xf32> -> vector<400x2048xf32>
    %get3A_106 = arith.constant 0 : index
    %get3A_107 = arith.constant 0 : index
    %get3A_108 = vector.load %arg8[%get3A_106, %get3A_107] : memref<1x2048xf32, #tpu.memory_space<vmem>>, vector<1x2048xf32>
    %add3A_109 = vector.broadcast %get3A_108 : vector<1x2048xf32> to vector<400x2048xf32>
    %add3A_110 = arith.addf %dot_general3A_105, %add3A_109 : vector<400x2048xf32>
    %convert_element_type3A_111 = arith.truncf %max3A_99 : vector<400x1024xf32> to vector<400x1024xbf16>
    %get3A_112 = arith.constant 0 : index
    %get3A_113 = arith.constant 0 : index
    %get3A_114 = vector.load %arg7[%get3A_112, %get3A_113] : memref<1024x2048xbf16, #tpu.memory_space<vmem>>, vector<1024x2048xbf16>
    %dot_general3A_115 = arith.constant dense<0.000000e+00> : vector<400x2048xf32>
    %dot_general3A_116 = tpu.matmul %convert_element_type3A_111, %get3A_114, %dot_general3A_115 {dimension_numbers = #tpu.dot_dimension_numbers<[1], [0], [0], [1], [0, 0, 1, 1], [], []>, transpose_lhs_hint = false} : vector<400x1024xbf16>, vector<1024x2048xbf16>, vector<400x2048xf32> -> vector<400x2048xf32>
    %get3A_117 = arith.constant 0 : index
    %get3A_118 = arith.constant 0 : index
    %get3A_119 = vector.load %arg8[%get3A_117, %get3A_118] : memref<1x2048xf32, #tpu.memory_space<vmem>>, vector<1x2048xf32>
    %add3A_120 = vector.broadcast %get3A_119 : vector<1x2048xf32> to vector<400x2048xf32>
    %add3A_121 = arith.addf %dot_general3A_116, %add3A_120 : vector<400x2048xf32>
    %reduce_sum3A_122 = arith.constant dense<0.000000e+00> : vector<400xf32>
    %reduce_sum3A_123 = vector.multi_reduction <add>, %add3A_110, %reduce_sum3A_122 [1] : vector<400x2048xf32> to vector<400xf32>
    %broadcast_in_dim3A_124 = vector.shape_cast %reduce_sum3A_123 : vector<400xf32> to vector<400x1xf32>
    %add3A_125 = arith.constant 0.000000e+00 : f32
    %add3A_126 = vector.broadcast %add3A_125 : f32 to vector<400x1xf32>
    %add3A_127 = arith.addf %add3A_126, %broadcast_in_dim3A_124 : vector<400x1xf32>
    %reduce_sum3A_128 = arith.constant dense<0.000000e+00> : vector<400xf32>
    %reduce_sum3A_129 = vector.multi_reduction <add>, %add3A_121, %reduce_sum3A_128 [1] : vector<400x2048xf32> to vector<400xf32>
    %broadcast_in_dim3A_130 = vector.shape_cast %reduce_sum3A_129 : vector<400xf32> to vector<400x1xf32>
    %add3A_131 = arith.addf %add3A_127, %broadcast_in_dim3A_130 : vector<400x1xf32>
    %mul3A_132 = arith.mulf %add3A_110, %add3A_110 : vector<400x2048xf32>
    %reduce_sum3A_133 = arith.constant dense<0.000000e+00> : vector<400xf32>
    %reduce_sum3A_134 = vector.multi_reduction <add>, %mul3A_132, %reduce_sum3A_133 [1] : vector<400x2048xf32> to vector<400xf32>
    %broadcast_in_dim3A_135 = vector.shape_cast %reduce_sum3A_134 : vector<400xf32> to vector<400x1xf32>
    %add3A_136 = arith.constant 0.000000e+00 : f32
    %add3A_137 = vector.broadcast %add3A_136 : f32 to vector<400x1xf32>
    %add3A_138 = arith.addf %add3A_137, %broadcast_in_dim3A_135 : vector<400x1xf32>
    %mul3A_139 = arith.mulf %add3A_121, %add3A_121 : vector<400x2048xf32>
    %reduce_sum3A_140 = arith.constant dense<0.000000e+00> : vector<400xf32>
    %reduce_sum3A_141 = vector.multi_reduction <add>, %mul3A_139, %reduce_sum3A_140 [1] : vector<400x2048xf32> to vector<400xf32>
    %broadcast_in_dim3A_142 = vector.shape_cast %reduce_sum3A_141 : vector<400xf32> to vector<400x1xf32>
    %add3A_143 = arith.addf %add3A_138, %broadcast_in_dim3A_142 : vector<400x1xf32>
    %div3A_144 = arith.constant 4.096000e+03 : f32
    %div3A_145 = vector.broadcast %div3A_144 : f32 to vector<400x1xf32>
    %div3A_146 = arith.divf %add3A_131, %div3A_145 : vector<400x1xf32>
    %div3A_147 = arith.constant 4.096000e+03 : f32
    %div3A_148 = vector.broadcast %div3A_147 : f32 to vector<400x1xf32>
    %div3A_149 = arith.divf %add3A_143, %div3A_148 : vector<400x1xf32>
    %mul3A_150 = arith.mulf %div3A_146, %div3A_146 : vector<400x1xf32>
    %sub3A_151 = arith.subf %div3A_149, %mul3A_150 : vector<400x1xf32>
    %add3A_152 = arith.constant 9.99999974E-6 : f32
    %add3A_153 = vector.broadcast %add3A_152 : f32 to vector<400x1xf32>
    %add3A_154 = arith.addf %sub3A_151, %add3A_153 : vector<400x1xf32>
    %rsqrt3A_155 = math.rsqrt %add3A_154 : vector<400x1xf32>
    %get3A_156 = arith.constant 0 : index
    %get3A_157 = arith.constant 0 : index
    %get3A_158 = vector.load %arg11[%get3A_156, %get3A_157] : memref<400x1xf32, #tpu.memory_space<vmem>>, vector<400x1xf32>
    %mul3A_159 = arith.mulf %rsqrt3A_155, %get3A_158 : vector<400x1xf32>
    %get3A_160 = arith.constant 0 : index
    %get3A_161 = arith.constant 0 : index
    %get3A_162 = vector.load %arg12[%get3A_160, %get3A_161] : memref<400x1xf32, #tpu.memory_space<vmem>>, vector<400x1xf32>
    %mul3A_163 = arith.mulf %div3A_146, %mul3A_159 : vector<400x1xf32>
    %sub3A_164 = arith.subf %get3A_162, %mul3A_163 : vector<400x1xf32>
    %mul3A_165 = vector.broadcast %mul3A_159 : vector<400x1xf32> to vector<400x2048xf32>
    %mul3A_166 = arith.mulf %add3A_110, %mul3A_165 : vector<400x2048xf32>
    %add3A_167 = vector.broadcast %sub3A_164 : vector<400x1xf32> to vector<400x2048xf32>
    %add3A_168 = arith.addf %mul3A_166, %add3A_167 : vector<400x2048xf32>
    %max3A_169 = arith.constant 0.000000e+00 : f32
    %max3A_170 = vector.broadcast %max3A_169 : f32 to vector<400x2048xf32>
    %max3A_171 = arith.maximumf %add3A_168, %max3A_170 : vector<400x2048xf32>
    %mul3A_172 = vector.broadcast %mul3A_159 : vector<400x1xf32> to vector<400x2048xf32>
    %mul3A_173 = arith.mulf %add3A_121, %mul3A_172 : vector<400x2048xf32>
    %add3A_174 = vector.broadcast %sub3A_164 : vector<400x1xf32> to vector<400x2048xf32>
    %add3A_175 = arith.addf %mul3A_173, %add3A_174 : vector<400x2048xf32>
    %max3A_176 = arith.constant 0.000000e+00 : f32
    %max3A_177 = vector.broadcast %max3A_176 : f32 to vector<400x2048xf32>
    %max3A_178 = arith.maximumf %add3A_175, %max3A_177 : vector<400x2048xf32>
    %slice3A = vector.extract_strided_slice %max3A_171 {offsets = [0, 0], sizes = [400, 128], strides = [1, 1]} : vector<400x2048xf32> to vector<400x128xf32>
    %get3A_179 = arith.constant 0 : index
    %get3A_180 = arith.constant 0 : index
    %get3A_181 = arith.constant 0 : index
    %get3A_182 = arith.constant 0 : index
    %get3A_183 = vector.load %arg3[%get3A_179, %get3A_180, %get3A_181, %get3A_182] : memref<2x16x400x128xf32, #tpu.memory_space<vmem>>, vector<1x1x400x128xf32>
    %get3A_184 = vector.shape_cast %get3A_183 : vector<1x1x400x128xf32> to vector<400x128xf32>
    %mul3A_185 = arith.mulf %slice3A, %get3A_184 : vector<400x128xf32>
    %slice3A_186 = vector.extract_strided_slice %max3A_171 {offsets = [0, 128], sizes = [400, 128], strides = [1, 1]} : vector<400x2048xf32> to vector<400x128xf32>
    %get3A_187 = arith.constant 0 : index
    %get3A_188 = arith.constant 1 : index
    %get3A_189 = arith.constant 0 : index
    %get3A_190 = arith.constant 0 : index
    %get3A_191 = vector.load %arg3[%get3A_187, %get3A_188, %get3A_189, %get3A_190] : memref<2x16x400x128xf32, #tpu.memory_space<vmem>>, vector<1x1x400x128xf32>
    %get3A_192 = vector.shape_cast %get3A_191 : vector<1x1x400x128xf32> to vector<400x128xf32>
    %mul3A_193 = arith.mulf %slice3A_186, %get3A_192 : vector<400x128xf32>
    %add3A_194 = arith.addf %mul3A_185, %mul3A_193 : vector<400x128xf32>
    %slice3A_195 = vector.extract_strided_slice %max3A_171 {offsets = [0, 256], sizes = [400, 128], strides = [1, 1]} : vector<400x2048xf32> to vector<400x128xf32>
    %get3A_196 = arith.constant 0 : index
    %get3A_197 = arith.constant 2 : index
    %get3A_198 = arith.constant 0 : index
    %get3A_199 = arith.constant 0 : index
    %get3A_200 = vector.load %arg3[%get3A_196, %get3A_197, %get3A_198, %get3A_199] : memref<2x16x400x128xf32, #tpu.memory_space<vmem>>, vector<1x1x400x128xf32>
    %get3A_201 = vector.shape_cast %get3A_200 : vector<1x1x400x128xf32> to vector<400x128xf32>
    %mul3A_202 = arith.mulf %slice3A_195, %get3A_201 : vector<400x128xf32>
    %add3A_203 = arith.addf %add3A_194, %mul3A_202 : vector<400x128xf32>
    %slice3A_204 = vector.extract_strided_slice %max3A_171 {offsets = [0, 384], sizes = [400, 128], strides = [1, 1]} : vector<400x2048xf32> to vector<400x128xf32>
    %get3A_205 = arith.constant 0 : index
    %get3A_206 = arith.constant 3 : index
    %get3A_207 = arith.constant 0 : index
    %get3A_208 = arith.constant 0 : index
    %get3A_209 = vector.load %arg3[%get3A_205, %get3A_206, %get3A_207, %get3A_208] : memref<2x16x400x128xf32, #tpu.memory_space<vmem>>, vector<1x1x400x128xf32>
    %get3A_210 = vector.shape_cast %get3A_209 : vector<1x1x400x128xf32> to vector<400x128xf32>
    %mul3A_211 = arith.mulf %slice3A_204, %get3A_210 : vector<400x128xf32>
    %add3A_212 = arith.addf %add3A_203, %mul3A_211 : vector<400x128xf32>
    %slice3A_213 = vector.extract_strided_slice %max3A_171 {offsets = [0, 512], sizes = [400, 128], strides = [1, 1]} : vector<400x2048xf32> to vector<400x128xf32>
    %get3A_214 = arith.constant 0 : index
    %get3A_215 = arith.constant 4 : index
    %get3A_216 = arith.constant 0 : index
    %get3A_217 = arith.constant 0 : index
    %get3A_218 = vector.load %arg3[%get3A_214, %get3A_215, %get3A_216, %get3A_217] : memref<2x16x400x128xf32, #tpu.memory_space<vmem>>, vector<1x1x400x128xf32>
    %get3A_219 = vector.shape_cast %get3A_218 : vector<1x1x400x128xf32> to vector<400x128xf32>
    %mul3A_220 = arith.mulf %slice3A_213, %get3A_219 : vector<400x128xf32>
    %add3A_221 = arith.addf %add3A_212, %mul3A_220 : vector<400x128xf32>
    %slice3A_222 = vector.extract_strided_slice %max3A_171 {offsets = [0, 640], sizes = [400, 128], strides = [1, 1]} : vector<400x2048xf32> to vector<400x128xf32>
    %get3A_223 = arith.constant 0 : index
    %get3A_224 = arith.constant 5 : index
    %get3A_225 = arith.constant 0 : index
    %get3A_226 = arith.constant 0 : index
    %get3A_227 = vector.load %arg3[%get3A_223, %get3A_224, %get3A_225, %get3A_226] : memref<2x16x400x128xf32, #tpu.memory_space<vmem>>, vector<1x1x400x128xf32>
    %get3A_228 = vector.shape_cast %get3A_227 : vector<1x1x400x128xf32> to vector<400x128xf32>
    %mul3A_229 = arith.mulf %slice3A_222, %get3A_228 : vector<400x128xf32>
    %add3A_230 = arith.addf %add3A_221, %mul3A_229 : vector<400x128xf32>
    %slice3A_231 = vector.extract_strided_slice %max3A_171 {offsets = [0, 768], sizes = [400, 128], strides = [1, 1]} : vector<400x2048xf32> to vector<400x128xf32>
    %get3A_232 = arith.constant 0 : index
    %get3A_233 = arith.constant 6 : index
    %get3A_234 = arith.constant 0 : index
    %get3A_235 = arith.constant 0 : index
    %get3A_236 = vector.load %arg3[%get3A_232, %get3A_233, %get3A_234, %get3A_235] : memref<2x16x400x128xf32, #tpu.memory_space<vmem>>, vector<1x1x400x128xf32>
    %get3A_237 = vector.shape_cast %get3A_236 : vector<1x1x400x128xf32> to vector<400x128xf32>
    %mul3A_238 = arith.mulf %slice3A_231, %get3A_237 : vector<400x128xf32>
    %add3A_239 = arith.addf %add3A_230, %mul3A_238 : vector<400x128xf32>
    %slice3A_240 = vector.extract_strided_slice %max3A_171 {offsets = [0, 896], sizes = [400, 128], strides = [1, 1]} : vector<400x2048xf32> to vector<400x128xf32>
    %get3A_241 = arith.constant 0 : index
    %get3A_242 = arith.constant 7 : index
    %get3A_243 = arith.constant 0 : index
    %get3A_244 = arith.constant 0 : index
    %get3A_245 = vector.load %arg3[%get3A_241, %get3A_242, %get3A_243, %get3A_244] : memref<2x16x400x128xf32, #tpu.memory_space<vmem>>, vector<1x1x400x128xf32>
    %get3A_246 = vector.shape_cast %get3A_245 : vector<1x1x400x128xf32> to vector<400x128xf32>
    %mul3A_247 = arith.mulf %slice3A_240, %get3A_246 : vector<400x128xf32>
    %add3A_248 = arith.addf %add3A_239, %mul3A_247 : vector<400x128xf32>
    %slice3A_249 = vector.extract_strided_slice %max3A_171 {offsets = [0, 1024], sizes = [400, 128], strides = [1, 1]} : vector<400x2048xf32> to vector<400x128xf32>
    %get3A_250 = arith.constant 0 : index
    %get3A_251 = arith.constant 8 : index
    %get3A_252 = arith.constant 0 : index
    %get3A_253 = arith.constant 0 : index
    %get3A_254 = vector.load %arg3[%get3A_250, %get3A_251, %get3A_252, %get3A_253] : memref<2x16x400x128xf32, #tpu.memory_space<vmem>>, vector<1x1x400x128xf32>
    %get3A_255 = vector.shape_cast %get3A_254 : vector<1x1x400x128xf32> to vector<400x128xf32>
    %mul3A_256 = arith.mulf %slice3A_249, %get3A_255 : vector<400x128xf32>
    %add3A_257 = arith.addf %add3A_248, %mul3A_256 : vector<400x128xf32>
    %slice3A_258 = vector.extract_strided_slice %max3A_171 {offsets = [0, 1152], sizes = [400, 128], strides = [1, 1]} : vector<400x2048xf32> to vector<400x128xf32>
    %get3A_259 = arith.constant 0 : index
    %get3A_260 = arith.constant 9 : index
    %get3A_261 = arith.constant 0 : index
    %get3A_262 = arith.constant 0 : index
    %get3A_263 = vector.load %arg3[%get3A_259, %get3A_260, %get3A_261, %get3A_262] : memref<2x16x400x128xf32, #tpu.memory_space<vmem>>, vector<1x1x400x128xf32>
    %get3A_264 = vector.shape_cast %get3A_263 : vector<1x1x400x128xf32> to vector<400x128xf32>
    %mul3A_265 = arith.mulf %slice3A_258, %get3A_264 : vector<400x128xf32>
    %add3A_266 = arith.addf %add3A_257, %mul3A_265 : vector<400x128xf32>
    %slice3A_267 = vector.extract_strided_slice %max3A_171 {offsets = [0, 1280], sizes = [400, 128], strides = [1, 1]} : vector<400x2048xf32> to vector<400x128xf32>
    %get3A_268 = arith.constant 0 : index
    %get3A_269 = arith.constant 10 : index
    %get3A_270 = arith.constant 0 : index
    %get3A_271 = arith.constant 0 : index
    %get3A_272 = vector.load %arg3[%get3A_268, %get3A_269, %get3A_270, %get3A_271] : memref<2x16x400x128xf32, #tpu.memory_space<vmem>>, vector<1x1x400x128xf32>
    %get3A_273 = vector.shape_cast %get3A_272 : vector<1x1x400x128xf32> to vector<400x128xf32>
    %mul3A_274 = arith.mulf %slice3A_267, %get3A_273 : vector<400x128xf32>
    %add3A_275 = arith.addf %add3A_266, %mul3A_274 : vector<400x128xf32>
    %slice3A_276 = vector.extract_strided_slice %max3A_171 {offsets = [0, 1408], sizes = [400, 128], strides = [1, 1]} : vector<400x2048xf32> to vector<400x128xf32>
    %get3A_277 = arith.constant 0 : index
    %get3A_278 = arith.constant 11 : index
    %get3A_279 = arith.constant 0 : index
    %get3A_280 = arith.constant 0 : index
    %get3A_281 = vector.load %arg3[%get3A_277, %get3A_278, %get3A_279, %get3A_280] : memref<2x16x400x128xf32, #tpu.memory_space<vmem>>, vector<1x1x400x128xf32>
    %get3A_282 = vector.shape_cast %get3A_281 : vector<1x1x400x128xf32> to vector<400x128xf32>
    %mul3A_283 = arith.mulf %slice3A_276, %get3A_282 : vector<400x128xf32>
    %add3A_284 = arith.addf %add3A_275, %mul3A_283 : vector<400x128xf32>
    %slice3A_285 = vector.extract_strided_slice %max3A_171 {offsets = [0, 1536], sizes = [400, 128], strides = [1, 1]} : vector<400x2048xf32> to vector<400x128xf32>
    %get3A_286 = arith.constant 0 : index
    %get3A_287 = arith.constant 12 : index
    %get3A_288 = arith.constant 0 : index
    %get3A_289 = arith.constant 0 : index
    %get3A_290 = vector.load %arg3[%get3A_286, %get3A_287, %get3A_288, %get3A_289] : memref<2x16x400x128xf32, #tpu.memory_space<vmem>>, vector<1x1x400x128xf32>
    %get3A_291 = vector.shape_cast %get3A_290 : vector<1x1x400x128xf32> to vector<400x128xf32>
    %mul3A_292 = arith.mulf %slice3A_285, %get3A_291 : vector<400x128xf32>
    %add3A_293 = arith.addf %add3A_284, %mul3A_292 : vector<400x128xf32>
    %slice3A_294 = vector.extract_strided_slice %max3A_171 {offsets = [0, 1664], sizes = [400, 128], strides = [1, 1]} : vector<400x2048xf32> to vector<400x128xf32>
    %get3A_295 = arith.constant 0 : index
    %get3A_296 = arith.constant 13 : index
    %get3A_297 = arith.constant 0 : index
    %get3A_298 = arith.constant 0 : index
    %get3A_299 = vector.load %arg3[%get3A_295, %get3A_296, %get3A_297, %get3A_298] : memref<2x16x400x128xf32, #tpu.memory_space<vmem>>, vector<1x1x400x128xf32>
    %get3A_300 = vector.shape_cast %get3A_299 : vector<1x1x400x128xf32> to vector<400x128xf32>
    %mul3A_301 = arith.mulf %slice3A_294, %get3A_300 : vector<400x128xf32>
    %add3A_302 = arith.addf %add3A_293, %mul3A_301 : vector<400x128xf32>
    %slice3A_303 = vector.extract_strided_slice %max3A_171 {offsets = [0, 1792], sizes = [400, 128], strides = [1, 1]} : vector<400x2048xf32> to vector<400x128xf32>
    %get3A_304 = arith.constant 0 : index
    %get3A_305 = arith.constant 14 : index
    %get3A_306 = arith.constant 0 : index
    %get3A_307 = arith.constant 0 : index
    %get3A_308 = vector.load %arg3[%get3A_304, %get3A_305, %get3A_306, %get3A_307] : memref<2x16x400x128xf32, #tpu.memory_space<vmem>>, vector<1x1x400x128xf32>
    %get3A_309 = vector.shape_cast %get3A_308 : vector<1x1x400x128xf32> to vector<400x128xf32>
    %mul3A_310 = arith.mulf %slice3A_303, %get3A_309 : vector<400x128xf32>
    %add3A_311 = arith.addf %add3A_302, %mul3A_310 : vector<400x128xf32>
    %slice3A_312 = vector.extract_strided_slice %max3A_171 {offsets = [0, 1920], sizes = [400, 128], strides = [1, 1]} : vector<400x2048xf32> to vector<400x128xf32>
    %get3A_313 = arith.constant 0 : index
    %get3A_314 = arith.constant 15 : index
    %get3A_315 = arith.constant 0 : index
    %get3A_316 = arith.constant 0 : index
    %get3A_317 = vector.load %arg3[%get3A_313, %get3A_314, %get3A_315, %get3A_316] : memref<2x16x400x128xf32, #tpu.memory_space<vmem>>, vector<1x1x400x128xf32>
    %get3A_318 = vector.shape_cast %get3A_317 : vector<1x1x400x128xf32> to vector<400x128xf32>
    %mul3A_319 = arith.mulf %slice3A_312, %get3A_318 : vector<400x128xf32>
    %add3A_320 = arith.addf %add3A_311, %mul3A_319 : vector<400x128xf32>
    %swap3A = arith.constant 0 : index
    %swap3A_321 = arith.constant 0 : index
    %swap3A_322 = arith.constant 0 : index
    %swap3A_323 = vector.load %arg13[%swap3A, %swap3A_321, %swap3A_322] : memref<2x400x128xf32, #tpu.memory_space<vmem>>, vector<1x400x128xf32>
    %swap3A_324 = vector.shape_cast %swap3A_323 : vector<1x400x128xf32> to vector<400x128xf32>
    %swap3A_325 = vector.shape_cast %add3A_320 : vector<400x128xf32> to vector<1x400x128xf32>
    tpu.vector_store %arg13[%swap3A, %swap3A_321, %swap3A_322], %swap3A_325 {strides = array<i32>} : memref<2x400x128xf32, #tpu.memory_space<vmem>>, vector<1x400x128xf32>,
    %slice3A_326 = vector.extract_strided_slice %max3A_178 {offsets = [0, 0], sizes = [400, 128], strides = [1, 1]} : vector<400x2048xf32> to vector<400x128xf32>
    %get3A_327 = arith.constant 1 : index
    %get3A_328 = arith.constant 0 : index
    %get3A_329 = arith.constant 0 : index
    %get3A_330 = arith.constant 0 : index
    %get3A_331 = vector.load %arg3[%get3A_327, %get3A_328, %get3A_329, %get3A_330] : memref<2x16x400x128xf32, #tpu.memory_space<vmem>>, vector<1x1x400x128xf32>
    %get3A_332 = vector.shape_cast %get3A_331 : vector<1x1x400x128xf32> to vector<400x128xf32>
    %mul3A_333 = arith.mulf %slice3A_326, %get3A_332 : vector<400x128xf32>
    %slice3A_334 = vector.extract_strided_slice %max3A_178 {offsets = [0, 128], sizes = [400, 128], strides = [1, 1]} : vector<400x2048xf32> to vector<400x128xf32>
    %get3A_335 = arith.constant 1 : index
    %get3A_336 = arith.constant 1 : index
    %get3A_337 = arith.constant 0 : index
    %get3A_338 = arith.constant 0 : index
    %get3A_339 = vector.load %arg3[%get3A_335, %get3A_336, %get3A_337, %get3A_338] : memref<2x16x400x128xf32, #tpu.memory_space<vmem>>, vector<1x1x400x128xf32>
    %get3A_340 = vector.shape_cast %get3A_339 : vector<1x1x400x128xf32> to vector<400x128xf32>
    %mul3A_341 = arith.mulf %slice3A_334, %get3A_340 : vector<400x128xf32>
    %add3A_342 = arith.addf %mul3A_333, %mul3A_341 : vector<400x128xf32>
    %slice3A_343 = vector.extract_strided_slice %max3A_178 {offsets = [0, 256], sizes = [400, 128], strides = [1, 1]} : vector<400x2048xf32> to vector<400x128xf32>
    %get3A_344 = arith.constant 1 : index
    %get3A_345 = arith.constant 2 : index
    %get3A_346 = arith.constant 0 : index
    %get3A_347 = arith.constant 0 : index
    %get3A_348 = vector.load %arg3[%get3A_344, %get3A_345, %get3A_346, %get3A_347] : memref<2x16x400x128xf32, #tpu.memory_space<vmem>>, vector<1x1x400x128xf32>
    %get3A_349 = vector.shape_cast %get3A_348 : vector<1x1x400x128xf32> to vector<400x128xf32>
    %mul3A_350 = arith.mulf %slice3A_343, %get3A_349 : vector<400x128xf32>
    %add3A_351 = arith.addf %add3A_342, %mul3A_350 : vector<400x128xf32>
    %slice3A_352 = vector.extract_strided_slice %max3A_178 {offsets = [0, 384], sizes = [400, 128], strides = [1, 1]} : vector<400x2048xf32> to vector<400x128xf32>
    %get3A_353 = arith.constant 1 : index
    %get3A_354 = arith.constant 3 : index
    %get3A_355 = arith.constant 0 : index
    %get3A_356 = arith.constant 0 : index
    %get3A_357 = vector.load %arg3[%get3A_353, %get3A_354, %get3A_355, %get3A_356] : memref<2x16x400x128xf32, #tpu.memory_space<vmem>>, vector<1x1x400x128xf32>
    %get3A_358 = vector.shape_cast %get3A_357 : vector<1x1x400x128xf32> to vector<400x128xf32>
    %mul3A_359 = arith.mulf %slice3A_352, %get3A_358 : vector<400x128xf32>
    %add3A_360 = arith.addf %add3A_351, %mul3A_359 : vector<400x128xf32>
    %slice3A_361 = vector.extract_strided_slice %max3A_178 {offsets = [0, 512], sizes = [400, 128], strides = [1, 1]} : vector<400x2048xf32> to vector<400x128xf32>
    %get3A_362 = arith.constant 1 : index
    %get3A_363 = arith.constant 4 : index
    %get3A_364 = arith.constant 0 : index
    %get3A_365 = arith.constant 0 : index
    %get3A_366 = vector.load %arg3[%get3A_362, %get3A_363, %get3A_364, %get3A_365] : memref<2x16x400x128xf32, #tpu.memory_space<vmem>>, vector<1x1x400x128xf32>
    %get3A_367 = vector.shape_cast %get3A_366 : vector<1x1x400x128xf32> to vector<400x128xf32>
    %mul3A_368 = arith.mulf %slice3A_361, %get3A_367 : vector<400x128xf32>
    %add3A_369 = arith.addf %add3A_360, %mul3A_368 : vector<400x128xf32>
    %slice3A_370 = vector.extract_strided_slice %max3A_178 {offsets = [0, 640], sizes = [400, 128], strides = [1, 1]} : vector<400x2048xf32> to vector<400x128xf32>
    %get3A_371 = arith.constant 1 : index
    %get3A_372 = arith.constant 5 : index
    %get3A_373 = arith.constant 0 : index
    %get3A_374 = arith.constant 0 : index
    %get3A_375 = vector.load %arg3[%get3A_371, %get3A_372, %get3A_373, %get3A_374] : memref<2x16x400x128xf32, #tpu.memory_space<vmem>>, vector<1x1x400x128xf32>
    %get3A_376 = vector.shape_cast %get3A_375 : vector<1x1x400x128xf32> to vector<400x128xf32>
    %mul3A_377 = arith.mulf %slice3A_370, %get3A_376 : vector<400x128xf32>
    %add3A_378 = arith.addf %add3A_369, %mul3A_377 : vector<400x128xf32>
    %slice3A_379 = vector.extract_strided_slice %max3A_178 {offsets = [0, 768], sizes = [400, 128], strides = [1, 1]} : vector<400x2048xf32> to vector<400x128xf32>
    %get3A_380 = arith.constant 1 : index
    %get3A_381 = arith.constant 6 : index
    %get3A_382 = arith.constant 0 : index
    %get3A_383 = arith.constant 0 : index
    %get3A_384 = vector.load %arg3[%get3A_380, %get3A_381, %get3A_382, %get3A_383] : memref<2x16x400x128xf32, #tpu.memory_space<vmem>>, vector<1x1x400x128xf32>
    %get3A_385 = vector.shape_cast %get3A_384 : vector<1x1x400x128xf32> to vector<400x128xf32>
    %mul3A_386 = arith.mulf %slice3A_379, %get3A_385 : vector<400x128xf32>
    %add3A_387 = arith.addf %add3A_378, %mul3A_386 : vector<400x128xf32>
    %slice3A_388 = vector.extract_strided_slice %max3A_178 {offsets = [0, 896], sizes = [400, 128], strides = [1, 1]} : vector<400x2048xf32> to vector<400x128xf32>
    %get3A_389 = arith.constant 1 : index
    %get3A_390 = arith.constant 7 : index
    %get3A_391 = arith.constant 0 : index
    %get3A_392 = arith.constant 0 : index
    %get3A_393 = vector.load %arg3[%get3A_389, %get3A_390, %get3A_391, %get3A_392] : memref<2x16x400x128xf32, #tpu.memory_space<vmem>>, vector<1x1x400x128xf32>
    %get3A_394 = vector.shape_cast %get3A_393 : vector<1x1x400x128xf32> to vector<400x128xf32>
    %mul3A_395 = arith.mulf %slice3A_388, %get3A_394 : vector<400x128xf32>
    %add3A_396 = arith.addf %add3A_387, %mul3A_395 : vector<400x128xf32>
    %slice3A_397 = vector.extract_strided_slice %max3A_178 {offsets = [0, 1024], sizes = [400, 128], strides = [1, 1]} : vector<400x2048xf32> to vector<400x128xf32>
    %get3A_398 = arith.constant 1 : index
    %get3A_399 = arith.constant 8 : index
    %get3A_400 = arith.constant 0 : index
    %get3A_401 = arith.constant 0 : index
    %get3A_402 = vector.load %arg3[%get3A_398, %get3A_399, %get3A_400, %get3A_401] : memref<2x16x400x128xf32, #tpu.memory_space<vmem>>, vector<1x1x400x128xf32>
    %get3A_403 = vector.shape_cast %get3A_402 : vector<1x1x400x128xf32> to vector<400x128xf32>
    %mul3A_404 = arith.mulf %slice3A_397, %get3A_403 : vector<400x128xf32>
    %add3A_405 = arith.addf %add3A_396, %mul3A_404 : vector<400x128xf32>
    %slice3A_406 = vector.extract_strided_slice %max3A_178 {offsets = [0, 1152], sizes = [400, 128], strides = [1, 1]} : vector<400x2048xf32> to vector<400x128xf32>
    %get3A_407 = arith.constant 1 : index
    %get3A_408 = arith.constant 9 : index
    %get3A_409 = arith.constant 0 : index
    %get3A_410 = arith.constant 0 : index
    %get3A_411 = vector.load %arg3[%get3A_407, %get3A_408, %get3A_409, %get3A_410] : memref<2x16x400x128xf32, #tpu.memory_space<vmem>>, vector<1x1x400x128xf32>
    %get3A_412 = vector.shape_cast %get3A_411 : vector<1x1x400x128xf32> to vector<400x128xf32>
    %mul3A_413 = arith.mulf %slice3A_406, %get3A_412 : vector<400x128xf32>
    %add3A_414 = arith.addf %add3A_405, %mul3A_413 : vector<400x128xf32>
    %slice3A_415 = vector.extract_strided_slice %max3A_178 {offsets = [0, 1280], sizes = [400, 128], strides = [1, 1]} : vector<400x2048xf32> to vector<400x128xf32>
    %get3A_416 = arith.constant 1 : index
    %get3A_417 = arith.constant 10 : index
    %get3A_418 = arith.constant 0 : index
    %get3A_419 = arith.constant 0 : index
    %get3A_420 = vector.load %arg3[%get3A_416, %get3A_417, %get3A_418, %get3A_419] : memref<2x16x400x128xf32, #tpu.memory_space<vmem>>, vector<1x1x400x128xf32>
    %get3A_421 = vector.shape_cast %get3A_420 : vector<1x1x400x128xf32> to vector<400x128xf32>
    %mul3A_422 = arith.mulf %slice3A_415, %get3A_421 : vector<400x128xf32>
    %add3A_423 = arith.addf %add3A_414, %mul3A_422 : vector<400x128xf32>
    %slice3A_424 = vector.extract_strided_slice %max3A_178 {offsets = [0, 1408], sizes = [400, 128], strides = [1, 1]} : vector<400x2048xf32> to vector<400x128xf32>
    %get3A_425 = arith.constant 1 : index
    %get3A_426 = arith.constant 11 : index
    %get3A_427 = arith.constant 0 : index
    %get3A_428 = arith.constant 0 : index
    %get3A_429 = vector.load %arg3[%get3A_425, %get3A_426, %get3A_427, %get3A_428] : memref<2x16x400x128xf32, #tpu.memory_space<vmem>>, vector<1x1x400x128xf32>
    %get3A_430 = vector.shape_cast %get3A_429 : vector<1x1x400x128xf32> to vector<400x128xf32>
    %mul3A_431 = arith.mulf %slice3A_424, %get3A_430 : vector<400x128xf32>
    %add3A_432 = arith.addf %add3A_423, %mul3A_431 : vector<400x128xf32>
    %slice3A_433 = vector.extract_strided_slice %max3A_178 {offsets = [0, 1536], sizes = [400, 128], strides = [1, 1]} : vector<400x2048xf32> to vector<400x128xf32>
    %get3A_434 = arith.constant 1 : index
    %get3A_435 = arith.constant 12 : index
    %get3A_436 = arith.constant 0 : index
    %get3A_437 = arith.constant 0 : index
    %get3A_438 = vector.load %arg3[%get3A_434, %get3A_435, %get3A_436, %get3A_437] : memref<2x16x400x128xf32, #tpu.memory_space<vmem>>, vector<1x1x400x128xf32>
    %get3A_439 = vector.shape_cast %get3A_438 : vector<1x1x400x128xf32> to vector<400x128xf32>
    %mul3A_440 = arith.mulf %slice3A_433, %get3A_439 : vector<400x128xf32>
    %add3A_441 = arith.addf %add3A_432, %mul3A_440 : vector<400x128xf32>
    %slice3A_442 = vector.extract_strided_slice %max3A_178 {offsets = [0, 1664], sizes = [400, 128], strides = [1, 1]} : vector<400x2048xf32> to vector<400x128xf32>
    %get3A_443 = arith.constant 1 : index
    %get3A_444 = arith.constant 13 : index
    %get3A_445 = arith.constant 0 : index
    %get3A_446 = arith.constant 0 : index
    %get3A_447 = vector.load %arg3[%get3A_443, %get3A_444, %get3A_445, %get3A_446] : memref<2x16x400x128xf32, #tpu.memory_space<vmem>>, vector<1x1x400x128xf32>
    %get3A_448 = vector.shape_cast %get3A_447 : vector<1x1x400x128xf32> to vector<400x128xf32>
    %mul3A_449 = arith.mulf %slice3A_442, %get3A_448 : vector<400x128xf32>
    %add3A_450 = arith.addf %add3A_441, %mul3A_449 : vector<400x128xf32>
    %slice3A_451 = vector.extract_strided_slice %max3A_178 {offsets = [0, 1792], sizes = [400, 128], strides = [1, 1]} : vector<400x2048xf32> to vector<400x128xf32>
    %get3A_452 = arith.constant 1 : index
    %get3A_453 = arith.constant 14 : index
    %get3A_454 = arith.constant 0 : index
    %get3A_455 = arith.constant 0 : index
    %get3A_456 = vector.load %arg3[%get3A_452, %get3A_453, %get3A_454, %get3A_455] : memref<2x16x400x128xf32, #tpu.memory_space<vmem>>, vector<1x1x400x128xf32>
    %get3A_457 = vector.shape_cast %get3A_456 : vector<1x1x400x128xf32> to vector<400x128xf32>
    %mul3A_458 = arith.mulf %slice3A_451, %get3A_457 : vector<400x128xf32>
    %add3A_459 = arith.addf %add3A_450, %mul3A_458 : vector<400x128xf32>
    %slice3A_460 = vector.extract_strided_slice %max3A_178 {offsets = [0, 1920], sizes = [400, 128], strides = [1, 1]} : vector<400x2048xf32> to vector<400x128xf32>
    %get3A_461 = arith.constant 1 : index
    %get3A_462 = arith.constant 15 : index
    %get3A_463 = arith.constant 0 : index
    %get3A_464 = arith.constant 0 : index
    %get3A_465 = vector.load %arg3[%get3A_461, %get3A_462, %get3A_463, %get3A_464] : memref<2x16x400x128xf32, #tpu.memory_space<vmem>>, vector<1x1x400x128xf32>
    %get3A_466 = vector.shape_cast %get3A_465 : vector<1x1x400x128xf32> to vector<400x128xf32>
    %mul3A_467 = arith.mulf %slice3A_460, %get3A_466 : vector<400x128xf32>
    %add3A_468 = arith.addf %add3A_459, %mul3A_467 : vector<400x128xf32>
    %swap3A_469 = arith.constant 1 : index
    %swap3A_470 = arith.constant 0 : index
    %swap3A_471 = arith.constant 0 : index
    %swap3A_472 = vector.load %arg13[%swap3A_469, %swap3A_470, %swap3A_471] : memref<2x400x128xf32, #tpu.memory_space<vmem>>, vector<1x400x128xf32>
    %swap3A_473 = vector.shape_cast %swap3A_472 : vector<1x400x128xf32> to vector<400x128xf32>
    %swap3A_474 = vector.shape_cast %add3A_468 : vector<400x128xf32> to vector<1x400x128xf32>
    tpu.vector_store %arg13[%swap3A_469, %swap3A_470, %swap3A_471], %swap3A_474 {strides = array<i32>} : memref<2x400x128xf32, #tpu.memory_space<vmem>>, vector<1x400x128xf32>,
    return
  }
  func.func @transform_0(%arg0: i32) -> (i32, i32, i32) {
    %c0_i32 = arith.constant 0 : i32
    %c0_i32_0 = arith.constant 0 : i32
    %c0_i32_1 = arith.constant 0 : i32
    return %c0_i32, %arg0, %c0_i32_0 : i32, i32, i32
  }
  func.func @transform_1(%arg0: i32) -> (i32, i32, i32) {
    %c0_i32 = arith.constant 0 : i32
    %c0_i32_0 = arith.constant 0 : i32
    %c0_i32_1 = arith.constant 0 : i32
    return %c0_i32, %arg0, %c0_i32_0 : i32, i32, i32
  }
  func.func @transform_2(%arg0: i32) -> (i32, i32, i32, i32) {
    %c0_i32 = arith.constant 0 : i32
    %c0_i32_0 = arith.constant 0 : i32
    %c0_i32_1 = arith.constant 0 : i32
    %c0_i32_2 = arith.constant 0 : i32
    return %c0_i32, %c0_i32_0, %arg0, %c0_i32_1 : i32, i32, i32, i32
  }
  func.func @transform_3(%arg0: i32) -> (i32, i32) {
    %c0_i32 = arith.constant 0 : i32
    %c0_i32_0 = arith.constant 0 : i32
    %c0_i32_1 = arith.constant 0 : i32
    return %c0_i32, %c0_i32_0 : i32, i32
  }
  func.func @transform_4(%arg0: i32) -> (i32, i32) {
    %c0_i32 = arith.constant 0 : i32
    %c0_i32_0 = arith.constant 0 : i32
    %c0_i32_1 = arith.constant 0 : i32
    return %c0_i32, %c0_i32_0 : i32, i32
  }
  func.func @transform_5(%arg0: i32) -> (i32, i32) {
    %c0_i32 = arith.constant 0 : i32
    %c0_i32_0 = arith.constant 0 : i32
    %c0_i32_1 = arith.constant 0 : i32
    return %c0_i32, %c0_i32_0 : i32, i32
  }
  func.func @transform_6(%arg0: i32) -> (i32, i32) {
    %c0_i32 = arith.constant 0 : i32
    %c0_i32_0 = arith.constant 0 : i32
    %c0_i32_1 = arith.constant 0 : i32
    return %c0_i32, %c0_i32_0 : i32, i32
  }
  func.func @transform_7(%arg0: i32) -> (i32, i32) {
    %c0_i32 = arith.constant 0 : i32
    %c0_i32_0 = arith.constant 0 : i32
    %c0_i32_1 = arith.constant 0 : i32
    return %c0_i32, %c0_i32_0 : i32, i32
  }
  func.func @transform_8(%arg0: i32) -> (i32, i32) {
    %c0_i32 = arith.constant 0 : i32
    %c0_i32_0 = arith.constant 0 : i32
    return %arg0, %c0_i32 : i32, i32
  }
  func.func @transform_9(%arg0: i32) -> (i32, i32) {
    %c0_i32 = arith.constant 0 : i32
    %c0_i32_0 = arith.constant 0 : i32
    return %arg0, %c0_i32 : i32, i32
  }
  func.func @transform_10(%arg0: i32) -> (i32, i32) {
    %c0_i32 = arith.constant 0 : i32
    %c0_i32_0 = arith.constant 0 : i32
    return %arg0, %c0_i32 : i32, i32
  }
  func.func @transform_11(%arg0: i32) -> (i32, i32) {
    %c0_i32 = arith.constant 0 : i32
    %c0_i32_0 = arith.constant 0 : i32
    return %arg0, %c0_i32 : i32, i32
  }
  func.func @transform_12(%arg0: i32) -> (i32, i32, i32) {
    %c0_i32 = arith.constant 0 : i32
    %c0_i32_0 = arith.constant 0 : i32
    %c0_i32_1 = arith.constant 0 : i32
    return %c0_i32, %arg0, %c0_i32_0 : i32, i32, i32
  }
}

</mosaic_0001>

<sc_bundles>
// kernel: kernel.4.cloned.1.call-start
scs
__scs_entry_jumppad:
0x0: {  	(pc) =	sbr.rel $0x88, $3  }
0x1: {  	(tag) =	ssettag $0x0;
	lr =	simm.s32 $0x1  }
0x2: {  	[smem:$0x3F96] =	sst lr;
	_ =	strace $0xD0000000  }
0x3: {  	_ = 	snop  }
0x4: {  	_ = 	snop  }
0x5: {  	_ = 	snop  }
0x6: {  	_ = 	snop  }
0x7: {  	_ = 	snop  }
__scs_overlays_trampoline_lowered:
0x8: {  	[smem:$0x3FA5] =	sst s0  }
0x9: {  	[smem:$0x3FA6] =	sst s1  }
0xa: {  	[smem:$0x3FA7] =	sst s2  }
0xb: {  	[smem:$0x3FA8] =	sst s3  }
0xc: {  	[smem:$0x3FA9] =	sst s4  }
0xd: {  	[smem:$0x3FAA] =	sst s5  }
0xe: {  	[smem:$0x3FAB] =	sst s6  }
0xf: {  	[smem:$0x3FAC] =	sst s7  }
0x10: {  	[smem:$0x3FAD] =	sst s8  }
0x11: {  	[smem:$0x3FAE] =	sst s9;
	s0 =	simm.s32 @!p0 $0x0  }
0x12: {  	s1 =	sld [smem:$0x3F94];
	s0 =	simm.s32 @p0 $0x1  }
0x13: {  	[smem:$0x3FAF] =	sst s0;
	s0 =	simm.s32 @!p1 $0x0  }
0x14: {  	s2 =	sld [smem:$0x3F93];
	s0 =	simm.s32 @p1 $0x1  }
0x15: {  	[smem:$0x3FB0] =	sst s0;
	s0 =	simm.s32 @!p2 $0x0  }
0x16: {  	s3 =	sld [smem:$0x3FDB];
	s0 =	simm.s32 @p2 $0x1  }
0x17: {  	s4 =	simm.s32 $0x1BF5;
	[smem:$0x3FB2] =	sst s0  }
0x18: {  	s0 =	sld [smem:$0x3F95];
	_ =	swait.ge [sflag:s4], $0x0  }
0x19: {  	s7 =	sld [smem:$0x3F96]  }
0x1a: {  	s8 =	sadd.s32 $0xFFFFE003, lr  }
0x1b: {  	s9 =	sadd.s32 $0xFFFFFEF7, lr;
	s5 =	simm.s32 $0xFFFFFFFF;
	p2 =	slt.u32 s8, $0xFFFFF086  }
0x1c: {  	p1 =	slt.u32 s9, $0xF7A;
	s5 =	simm.s32 @!p2 $0x0  }
0x1d: {  	s5 =	simm.s32 @p1 $0x1;
	p0 =	seq.s32 s7, s2  }
0x1e: {  	s7 =	smul.u32 @!p0 $0xF7A, s2;
	p2 =	seq.s32 @!p0 s5, $0x0  }
0x1f: {  	s9 =	smul.u32 $0xF7A, s1;
	s8 =	simm.s32 @!p0 $0x1BF5;
	p2 =	por !p2, p0  }
0x20: {  	[sflag:s8] =	ssyncset.s32 @!p0 $0xFFFFF086;
	s6 =	sadd.s32 @!p0 s3, s7;
	s7 =	simm.s32 @!p0 $0x108  }
0x21: {  	s3 =	sadd.s32 s3, s9;
	s6 =	sadd.s32 @!p0 $0x88, s6;
	s7 =	simm.s32 @p2 $0x1082  }
0x22: {  	[simem:s7], [sflag:s8] =	dma.local @!p0 [hbm:s6], $0xF7A  }
0x23: {  	s9 =	sor.u32 $0xD0000000, s2;
	s6 =	simm.s32 $0x108;
	_ =	swait.ge @!p0 [sflag:s8], $0x0  }
0x24: {  	s3 =	sadd.s32 $0x88, s3;
	s6 =	simm.s32 @!p1 $0x1082;
	[sflag:s4] =	ssyncset.s32 $0xFFFFF086  }
0x25: {  	[simem:s6], [sflag:s4] =	dma.local [hbm:s3], $0xF7A  }
0x26: {  	[smem:$0x3F96] =	sst s1;
	(tag) =	ssettag s2;
	_ =	strace s9  }
0x27: {  	s1 =	sld [smem:$0x3FA6]  }
0x28: {  	s2 =	sld [smem:$0x3FA7]  }
0x29: {  	s4 =	sld [smem:$0x3FA9]  }
0x2a: {  	p0 =	seq.s32 s5, $0x0;
	s5 =	sld [smem:$0x3FAA]  }
0x2b: {  	s6 =	sld [smem:$0x3FAB]  }
0x2c: {  	s7 =	sld [smem:$0x3FAC]  }
0x2d: {  	s3 =	simm.s32 $0x108;
	s8 =	sld [smem:$0x3FAD]  }
0x2e: {  	s3 =	simm.s32 @!p0 $0x1082;
	s9 =	sld [smem:$0x3FAE]  }
0x2f: {  	lr =	sadd.s32 s0, s3;
	s0 =	sld [smem:$0x3FA5]  }
0x30: {  	s3 =	sld [smem:$0x3FA8]  }
0x31: {  	[smem:$0x3FB1] =	sst s10  }
0x32: {  	s10 =	sld [smem:$0x3FAF];
	_ =	sdelay $0x3  }
0x33: {  	p0 =	seq.s32 s10, $0x1;
	s10 =	sld [smem:$0x3FB1];
	_ =	sdelay $0x3  }
0x34: {  	[smem:$0x3FB1] =	sst s10  }
0x35: {  	s10 =	sld [smem:$0x3FB0];
	_ =	sdelay $0x3  }
0x36: {  	p1 =	seq.s32 s10, $0x1;
	s10 =	sld [smem:$0x3FB1];
	_ =	sdelay $0x3  }
0x37: {  	[smem:$0x3FB1] =	sst s10  }
0x38: {  	s10 =	sld [smem:$0x3FB2]  }
0x39: {  	_ = 	snop;
	(pc) =	sbr.ind lr, $3  }
0x3a: {  	_ = 	snop  }
0x3b: {  	_ = 	snop  }
0x3c: {  	p2 =	seq.s32 s10, $0x1;
	s10 =	sld [smem:$0x3FB1]  }
0x3d: {  	_ =	shalt  }
0x3e: {  	_ =	shalt  }
0x3f: {  	_ =	shalt  }
0x40: {  	_ =	shalt  }
0x41: {  	_ =	shalt  }
0x42: {  	_ =	shalt  }
0x43: {  	_ =	shalt  }
0x44: {  	_ =	shalt  }
0x45: {  	_ =	shalt  }
0x46: {  	_ =	shalt  }
0x47: {  	_ =	shalt  }
0x48: {  	_ =	shalt  }
0x49: {  	_ =	shalt  }
0x4a: {  	_ =	shalt  }
0x4b: {  	_ =	shalt  }
0x4c: {  	_ =	shalt  }
0x4d: {  	_ =	shalt  }
0x4e: {  	_ =	shalt  }
0x4f: {  	_ =	shalt  }
0x50: {  	_ =	shalt  }
0x51: {  	_ =	shalt  }
0x52: {  	_ =	shalt  }
0x53: {  	_ =	shalt  }
0x54: {  	_ =	shalt  }
0x55: {  	_ =	shalt  }
0x56: {  	_ =	shalt  }
0x57: {  	_ =	shalt  }
0x58: {  	_ =	shalt  }
0x59: {  	_ =	shalt  }
0x5a: {  	_ =	shalt  }
0x5b: {  	_ =	shalt  }
0x5c: {  	_ =	shalt  }
0x5d: {  	_ =	shalt  }
0x5e: {  	_ =	shalt  }
0x5f: {  	_ =	shalt  }
0x60: {  	_ =	shalt  }
0x61: {  	_ =	shalt  }
0x62: {  	_ =	shalt  }
0x63: {  	_ =	shalt  }
0x64: {  	_ =	shalt  }
0x65: {  	_ =	shalt  }
0x66: {  	_ =	shalt  }
0x67: {  	_ =	shalt  }
0x68: {  	_ =	shalt  }
0x69: {  	_ =	shalt  }
0x6a: {  	_ =	shalt  }
0x6b: {  	_ =	shalt  }
0x6c: {  	_ =	shalt  }
0x6d: {  	_ =	shalt  }
0x6e: {  	_ =	shalt  }
0x6f: {  	_ =	shalt  }
0x70: {  	_ =	shalt  }
0x71: {  	_ =	shalt  }
0x72: {  	_ =	shalt  }
0x73: {  	_ =	shalt  }
0x74: {  	_ =	shalt  }
0x75: {  	_ =	shalt  }
0x76: {  	_ =	shalt  }
0x77: {  	_ =	shalt  }
0x78: {  	_ =	shalt  }
0x79: {  	_ =	shalt  }
0x7a: {  	_ =	shalt  }
0x7b: {  	_ =	shalt  }
0x7c: {  	_ =	shalt  }
0x7d: {  	_ =	shalt  }
0x7e: {  	_ =	shalt  }
0x7f: {  	_ =	shalt  }
0x80: {  	_ =	shalt  }
0x81: {  	_ =	shalt  }
0x82: {  	_ =	shalt  }
0x83: {  	_ =	shalt  }
0x84: {  	_ =	shalt  }
0x85: {  	_ =	shalt  }
0x86: {  	_ =	shalt  }
0x87: {  	_ =	shalt  }
.Lfunc_end0:
.L_simem_size_0:
called_computation_lowered:
.L_overlay_start_0:
0x88: {  	s2 =	sld [smem:$0x3FD9]  }
0x89: {  	s3 =	sld [smem:$0x3FFE];
	_ =	sdelay $0x1  }
0x8a: {  	s1 =	srdreg.scid  }
0x8b: {  	s0 =	sand.u32 $0x1, s1  }
0x8c: {  	s14 =	sshll.u32 s0, $0xA;
	s2 =	sadd.s32 s3, s2  }
0x8d: {  	s2 =	sadd.s32 s2, s14  }
0x8e: {  	[smem:$0x3FBD] =	sst s2  }
0x8f: {  	_ = 	snop  }
0x90: {  	s2 =	sld [smem:$0x3FD0];
	_ =	sdelay $0x2  }
0x91: {  	s4 =	simm.s32 $0xA;
	s5 =	simm.s32 $0x10;
	s15 =	sld [smem:$0x3FC9]  }
0x92: {  	[smem:s5], [sflag:s4] =	dma.local [hbm:s2], $0x1  }
0x93: {  	_ =	swait.eq [sflag:s4], $0x1  }
0x94: {  	[sflag:s4] =	ssyncset.done $0x0  }
0x95: {  	s16 =	sld [smem:$0x10];
	[sflag:s4] =	ssyncadd.s32 $0xFFFFFFFF  }
0x96: {  	s17 =	sld [smem:$0x12];
	(tm) =	ssettm $0x1  }
0x97: {  	s18 =	sld [smem:$0x3FFB];
	_ =	sdelay $0x3  }
0x98: {  	_ =	strace s18  }
0x99: {  	s5 =	sld [smem:$0x3FFC];
	_ =	sdelay $0x3  }
0x9a: {  	_ =	strace s5  }
0x9b: {  	s5 =	sld [smem:$0x3FFD];
	_ =	sdelay $0x3  }
0x9c: {  	_ =	strace s5  }
0x9d: {  	_ =	strace $0x8FFFFFFF  }
0x9e: {  	s19 =	sld [smem:$0x3FDB];
	_ =	sdelay $0x1  }
0x9f: {  	s6 =	simm.s32 $_scs_section_size  }
0xa0: {  	s7 =	simm.s32 $_size__tile_overlayer_lowered;
	s8 =	simm.s32 $_tile_overlayer_lowered  }
0xa1: {  	s22 =	simm.s32 $0x1BFF;
	s21 =	sshll.u32 s8, $0x1;
	s5 =	sadd.s32 s6, s19  }
0xa2: {  	s9 =	simm.s32 $0x0;
	s20 =	sshll.u32 s7, $0x1;
	s7 =	sadd.s32 s21, s5  }
0xa3: {  	[timem:s9], [sflag:s22] =	dma.local [hbm:s7], s20  }
0xa4: {  	_ =	swait.ge [sflag:s22], s20  }
0xa5: {  	s6 =	ssub.s32 $0x0, s20;
	[sflag:s22] =	ssyncset.done $0x0  }
0xa6: {  	[sflag:s22] =	ssyncadd.s32 s6;
	_ =	sdelay $0x1  }
0xa7: {  	s23 =	simm.s32 $0x1B8B  }
0xa8: {  	_ =	swait.ge [sflag:s23], $0x1  }
0xa9: {  	[sflag:s23] =	ssyncset.done $0x0  }
0xaa: {  	s25 =	simm.s32 $0x1B8E;
	s24 =	sld [smem:$0x3FFE];
	[sflag:s23] =	ssyncadd.s32 $0xFFFFFFFF  }
0xab: {  	s26 =	simm.s32 $execute0_lowered;
	[smem:$0x3FD2] =	sst s25  }
0xac: {  	s7 =	sshll.u32 s26, $0x1;
	_ =	strace $0x80000046;
	[dreg:$0x1] =	wrdreg $0xFFFFFFFF  }
0xad: {  	s28 =	simm.s32 $_size_execute0_lowered;
	s5 =	sadd.s32 s5, s7;
	[dreg:$0x0] =	wrdreg $0x0  }
0xae: {  	s7 =	sshll.u32 s28, $0x1;
	[dreg:$0x2] =	wrdreg s5  }
0xaf: {  	[dreg:$0x3] =	wrdreg s7  }
0xb0: {  	[dreg:$0x4] =	wrdreg $0xC0  }
0xb1: {  	_ =	task [dreg:s9], $0x5FFFF  }
0xb2: {  	[dreg:$0x1] =	wrdreg $0xFFFFFFFF  }
0xb3: {  	[dreg:$0x0] =	wrdreg $0x60  }
0xb4: {  	[dreg:$0x2] =	wrdreg s15  }
0xb5: {  	[dreg:$0x3] =	wrdreg s17  }
0xb6: {  	[dreg:$0x4] =	wrdreg s16  }
0xb7: {  	[dreg:$0x5] =	wrdreg s24  }
0xb8: {  	[dreg:$0x6] =	wrdreg $0x9  }
0xb9: {  	_ =	task.clear_ibuf [dreg:s9], $0x7FFFF;
	_ =	strace $0x90000046  }
0xba: {  	s29 =	simm.s32 $0x9;
	_ =	strace $0x80000048  }
0xbb: {  	_ =	swait.ge [sflag:s29], $0x1  }
0xbc: {  	[sflag:s29] =	ssyncadd.s32 $0xFFFFFFFF  }
0xbd: {  	_ =	strace $0x90000048  }
0xbe: {  	_ =	sfence  }
0xbf: {  	s30 =	sld [smem:$0x0];
	_ =	sdelay $0x2  }
0xc0: {  	s31 =	sshll.u32 s1, $0xD;
	s1 =	sshrl.u32 s1, $0x2  }
0xc1: {  	s3 =	sand.u32 $0x4000, s31;
	s1 =	sadd.s32 s1, s30  }
0xc2: {  	s0 =	sor.u32 s3, s0;
	s1 =	sshll.u32 s1, $0x11  }
0xc3: {  	s0 =	sor.u32 s1, s0  }
0xc4: {  	s0 =	sadd.s32 $0x8F2B, s0  }
0xc5: {  	[sflag:s0] =	ssyncadd.remote.s32 $0x1  }
0xc6: {  	_ =	sfence.sel $0xFFFF  }
0xc7: {  	[dreg:$0x0] =	wrdreg $0xFFFFFFFF;
	(pc) =	sbr.abs _section_cstart, $3  }
0xc8: {  	[dreg:$0x1] =	wrdreg $0xFFFFFFFF  }
0xc9: {  	_ =	task.clear_ibuf [dreg:s9], $0x2FFFF;
	_ =	strace $0x9FFFFFFF  }
0xca: {  	(tm) =	ssettm $0x7FFFFFFF  }
0xcb: {  	_ =	shalt  }
tec
execute0_lowered:
.L_overlay_start_1:
0x0: {  	(tag) =	ssettag $0x1  }
0x1: {  	s1 =	rddreg [dreg:$0x0]  }
0x2: {  	s2 =	rddreg [dreg:$0x1]  }
0x3: {  	s3 =	rddreg [dreg:$0x2]  }
0x4: {  	s0 =	rddreg [dreg:$0x3];
	s5 =	simm.s32 $0x0;
	s4 =	srdreg.scid  }
0x5: {  	s16 =	stileid.u32;
	s17 =	simm.s32 $0x4E200;
	s18 =	simm.s32 $0x3  }
0x6: {  	s19 =	simm.s32 $0x640;
	s20 =	simm.s32 $0x19640;
	s9 =	smul.u32 $0x4E20, s16  }
0x7: {  	s21 =	simm.s32 $0x320;
	s22 =	simm.s32 $0x1;
	s14 =	smul.u32 $0x9C40, s16  }
0x8: {  	s6 =	sand.u32 $0x1, s4;
	s23 =	sshll.u32 s16, $0x1;
	s16 =	smul.u32 $0x4E200, s16  }
0x9: {  	s28 =	simm.s32 $0x0;
	[smem:$0x7FF] =	sst s5;
	s11 =	smul.u32 $0x2710, s6  }
0xa: {  	s10 =	sadd.s32 $0x9E200, s0;
	s12 =	sadd.s32 $0x1E00, s0;
	s15 =	smul.u32 $0x4E20, s6  }
0xb: {  	s7 =	ssub.s32 $0x2, s6;
	s4 =	sor.u32 s6, s23;
	s6 =	smul.u32 $0x27100, s6  }
0xc: {  	_ =	strace $0x80000047;
	s8 =	sshrl.u32 s7, $0x1;
	s4 =	smul.u32 $0x2710, s4  }
0xd: {  	s23 =	simm.s32 $0xCE40;
	s24 =	ssub.s32 s7, s8;
	s29 =	sadd.s32 s11, s9  }
0xe: {  	s25 =	sshrl.u32 s4, $0x3;
	s4 =	sadd.s32 $0x2580, s4;
	s9 =	smax.u32 s24, $0x1  }
0xf: {  	s13 =	sadd.s32 $0x190, s29;
	s0 =	sadd.s32 $0x320, s29;
	s24 =	simm.s32 $0x4B0  }
0x10: {  	s7 =	sadd.s32 s3, s25;
	s26 =	sshll.u32 s4, $0x4;
	s4 =	sshll.u32 s4, $0x1  }
0x11: {  	s30 =	sshrl.u32 s13, $0x4;
	s13 =	sshrl.u32 s13, $0x3;
	s25 =	simm.s32 $0x1AF40  }
0x12: {  	[dreg:$0x5] =	wrdreg s7;
	s7 =	sadd.s32 s10, s26;
	s8 =	sadd.s32 s12, s4  }
0x13: {  	s31 =	sshll.u32 s30, $0x5;
	s4 =	sshll.u32 s30, $0x8;
	s13 =	sadd.s32 s13, s3  }
0x14: {  	s26 =	simm.s32 $0x2;
	[dreg:$0x6] =	wrdreg s7;
	s11 =	sadd.s32 s31, s12  }
0x15: {  	s4 =	sadd.s32 s4, s10;
	s12 =	sadd.s32 s14, s12;
	s10 =	sadd.s32 s16, s10  }
0x16: {  	s16 =	simm.s32 $0x190;
	s14 =	sadd.s32 s15, s12;
	s15 =	sadd.s32 s6, s10  }
.LBB2_1:
0x17: {  	s6 =	rddreg [dreg:$0x5]  }
0x18: {  	[tilespmem:s5], [sflag:$0x3] =	stream.strided.gather [hbm4b:s6+s16], $0x320, s17, s16, $0x38;
	[tilespmem:$0x1C840] =	vst v63  }
0x19: {  	_ =	swait.ge [sflag:s18], $0x320  }
0x1a: {  	[sflag:s18] =	ssyncset.done $0x0  }
0x1b: {  	[sflag:s18] =	ssyncadd.s32 $0xFFFFFCE0  }
0x1c: {  	[tilespmem:s19], [sflag:$0x1] =	stream.indirect.gather [hbm4b:s1+s16], $0x80, s5, s16, $0xb8;
	[tilespmem:$0x1C840] =	vst v63  }
0x1d: {  	_ = 	snop  }
0x1e: {  	[tilespmem:s20], [sflag:$0x1] =	stream.indirect.gather [hbm4b:s2+s16], $0x10, s16, s16, $0xb8;
	[tilespmem:$0x1C840] =	vst v63  }
0x1f: {  	_ = 	snop  }
0x20: {  	[tilespmem:s21], [sflag:$0x3] =	stream.strided.gather [hbm4b:s13+s16], $0x320, s17, s16, $0x38;
	[tilespmem:$0x1C840] =	vst v63  }
0x21: {  	_ =	swait.ge [sflag:s18], $0x320  }
0x22: {  	[sflag:s18] =	ssyncset.done $0x0  }
0x23: {  	[sflag:s18] =	ssyncadd.s32 $0xFFFFFCE0  }
0x24: {  	_ =	swait.ge [sflag:s22], $0xC800  }
0x25: {  	[sflag:s22] =	ssyncset.done $0x0  }
0x26: {  	[sflag:s22] =	ssyncadd.s32 $0xFFFF3800  }
0x27: {  	_ =	swait.ge [sflag:s22], $0x1900  }
0x28: {  	[sflag:s22] =	ssyncset.done $0x0  }
0x29: {  	[sflag:s22] =	ssyncadd.s32 $0xFFFFE700  }
0x2a: {  	[tilespmem:s23], [sflag:$0x2] =	stream.indirect.gather [hbm4b:s1+s16], $0x80, s21, s16, $0xb8;
	[tilespmem:$0x1C840] =	vst v63  }
0x2b: {  	_ = 	snop  }
0x2c: {  	[tilespmem:s25], [sflag:$0x2] =	stream.indirect.gather [hbm4b:s2+s16], $0x10, s24, s16, $0xb8;
	[tilespmem:$0x1C840] =	vst v63  }
0x2d: {  	_ = 	snop  }
0x2e: {  	[hbm4b:s15+s5] =	stream.linear.scatter [tilespmem:s19], [sflag:$0x3], $0xC800, $0x38;
	[tilespmem:$0x1C840] =	vst v63  }
0x2f: {  	_ =	swait.ge [sflag:s18], $0xC800  }
0x30: {  	[sflag:s18] =	ssyncset.done $0x0  }
0x31: {  	s7 =	sadd.s32 $0x0, s14;
	[sflag:s18] =	ssyncadd.s32 $0xFFFF3800  }
0x32: {  	[hbm4b:s7+s5] =	stream.linear.scatter [tilespmem:s20], [sflag:$0x3], $0x1900, $0x38;
	[tilespmem:$0x1C840] =	vst v63  }
0x33: {  	_ =	swait.ge [sflag:s18], $0x1900  }
0x34: {  	s10 =	sshrl.u32 s0, $0x3;
	[sflag:s18] =	ssyncset.done $0x0  }
0x35: {  	s6 =	sadd.s32 s3, s10;
	[sflag:s18] =	ssyncadd.s32 $0xFFFFE700  }
0x36: {  	[tilespmem:s5], [sflag:$0x3] =	stream.strided.gather [hbm4b:s6+s16], $0x320, s17, s16, $0x38;
	[tilespmem:$0x1C840] =	vst v63  }
0x37: {  	_ =	swait.ge [sflag:s18], $0x320  }
0x38: {  	[sflag:s18] =	ssyncset.done $0x0  }
0x39: {  	[sflag:s18] =	ssyncadd.s32 $0xFFFFFCE0  }
0x3a: {  	[tilespmem:s19], [sflag:$0x1] =	stream.indirect.gather [hbm4b:s1+s16], $0x80, s5, s16, $0xb8;
	[tilespmem:$0x1C840] =	vst v63  }
0x3b: {  	_ = 	snop  }
0x3c: {  	[tilespmem:s20], [sflag:$0x1] =	stream.indirect.gather [hbm4b:s2+s16], $0x10, s16, s16, $0xb8;
	[tilespmem:$0x1C840] =	vst v63  }
0x3d: {  	_ =	swait.ge [sflag:s26], $0xC800  }
0x3e: {  	[sflag:s26] =	ssyncset.done $0x0  }
0x3f: {  	[sflag:s26] =	ssyncadd.s32 $0xFFFF3800  }
0x40: {  	_ =	swait.ge [sflag:s26], $0x1900  }
0x41: {  	[sflag:s26] =	ssyncset.done $0x0  }
0x42: {  	[sflag:s26] =	ssyncadd.s32 $0xFFFFE700  }
0x43: {  	[hbm4b:s4+s5] =	stream.linear.scatter [tilespmem:s23], [sflag:$0x3], $0xC800, $0x38;
	[tilespmem:$0x1C840] =	vst v63  }
0x44: {  	_ =	swait.ge [sflag:s18], $0xC800  }
0x45: {  	[sflag:s18] =	ssyncset.done $0x0  }
0x46: {  	s12 =	sadd.s32 $0x0, s11;
	s29 =	simm.s32 $0x640;
	[sflag:s18] =	ssyncadd.s32 $0xFFFF3800  }
0x47: {  	[hbm4b:s12+s5] =	stream.linear.scatter [tilespmem:s25], [sflag:$0x3], $0x1900, $0x38;
	[tilespmem:$0x1C840] =	vst v63  }
0x48: {  	s30 =	sadd.s32 $0x64, s13;
	s31 =	sadd.s32 $0x3200, s15;
	_ =	swait.ge [sflag:s18], $0x1900  }
0x49: {  	s10 =	smov.u32 s0;
	s12 =	smov.u32 s4;
	[sflag:s18] =	ssyncset.done $0x0  }
.LBB2_2:
0x4a: {  	[sflag:s18] =	ssyncadd.s32 $0xFFFFE700  }
0x4b: {  	s10 =	sadd.s32 $0x320, s10;
	s12 =	sadd.s32 $0x3200, s12;
	s6 =	smov.u32 s29  }
0x4c: {  	[tilespmem:s21], [sflag:$0x3] =	stream.strided.gather [hbm4b:s30+s16], $0x320, s17, s16, $0x38;
	[tilespmem:$0x1C840] =	vst v63  }
0x4d: {  	p0 =	sne.s32 s29, $0x44C0;
	s29 =	sadd.s32 $0x640, s29;
	_ =	swait.ge [sflag:s18], $0x320  }
0x4e: {  	[sflag:s18] =	ssyncset.done $0x0  }
0x4f: {  	[sflag:s18] =	ssyncadd.s32 $0xFFFFFCE0  }
0x50: {  	_ =	swait.ge [sflag:s22], $0xC800  }
0x51: {  	[sflag:s22] =	ssyncset.done $0x0  }
0x52: {  	[sflag:s22] =	ssyncadd.s32 $0xFFFF3800  }
0x53: {  	_ =	swait.ge [sflag:s22], $0x1900  }
0x54: {  	[sflag:s22] =	ssyncset.done $0x0  }
0x55: {  	[sflag:s22] =	ssyncadd.s32 $0xFFFFE700  }
0x56: {  	[tilespmem:s23], [sflag:$0x2] =	stream.indirect.gather [hbm4b:s1+s16], $0x80, s21, s16, $0xb8;
	[tilespmem:$0x1C840] =	vst v63  }
0x57: {  	_ = 	snop  }
0x58: {  	[tilespmem:s25], [sflag:$0x2] =	stream.indirect.gather [hbm4b:s2+s16], $0x10, s24, s16, $0xb8;
	[tilespmem:$0x1C840] =	vst v63  }
0x59: {  	_ = 	snop  }
0x5a: {  	[hbm4b:s31+s5] =	stream.linear.scatter [tilespmem:s19], [sflag:$0x3], $0xC800, $0x38;
	[tilespmem:$0x1C840] =	vst v63  }
0x5b: {  	_ =	swait.ge [sflag:s18], $0xC800  }
0x5c: {  	[sflag:s18] =	ssyncset.done $0x0  }
0x5d: {  	s7 =	sadd.s32 s6, s14;
	[sflag:s18] =	ssyncadd.s32 $0xFFFF3800  }
0x5e: {  	[hbm4b:s7+s5] =	stream.linear.scatter [tilespmem:s20], [sflag:$0x3], $0x1900, $0x38;
	[tilespmem:$0x1C840] =	vst v63  }
0x5f: {  	_ =	swait.ge [sflag:s18], $0x1900  }
0x60: {  	s7 =	sshrl.u32 s10, $0x3;
	[sflag:s18] =	ssyncset.done $0x0  }
0x61: {  	s7 =	sadd.s32 s3, s7;
	[sflag:s18] =	ssyncadd.s32 $0xFFFFE700  }
0x62: {  	[tilespmem:s5], [sflag:$0x3] =	stream.strided.gather [hbm4b:s7+s16], $0x320, s17, s16, $0x38;
	[tilespmem:$0x1C840] =	vst v63  }
0x63: {  	_ =	swait.ge [sflag:s18], $0x320  }
0x64: {  	[sflag:s18] =	ssyncset.done $0x0  }
0x65: {  	[sflag:s18] =	ssyncadd.s32 $0xFFFFFCE0  }
0x66: {  	[tilespmem:s19], [sflag:$0x1] =	stream.indirect.gather [hbm4b:s1+s16], $0x80, s5, s16, $0xb8;
	[tilespmem:$0x1C840] =	vst v63  }
0x67: {  	_ = 	snop  }
0x68: {  	[tilespmem:s20], [sflag:$0x1] =	stream.indirect.gather [hbm4b:s2+s16], $0x10, s16, s16, $0xb8;
	[tilespmem:$0x1C840] =	vst v63  }
0x69: {  	_ =	swait.ge [sflag:s26], $0xC800  }
0x6a: {  	[sflag:s26] =	ssyncset.done $0x0  }
0x6b: {  	[sflag:s26] =	ssyncadd.s32 $0xFFFF3800  }
0x6c: {  	_ =	swait.ge [sflag:s26], $0x1900  }
0x6d: {  	[sflag:s26] =	ssyncset.done $0x0  }
0x6e: {  	[sflag:s26] =	ssyncadd.s32 $0xFFFFE700  }
0x6f: {  	[hbm4b:s12+s5] =	stream.linear.scatter [tilespmem:s23], [sflag:$0x3], $0xC800, $0x38;
	[tilespmem:$0x1C840] =	vst v63  }
0x70: {  	_ =	swait.ge [sflag:s18], $0xC800  }
.Ltmp0:
0x71: {  	[sflag:s18] =	ssyncset.done $0x0;
	(pc) =	sbr.rel @p0 .LBB2_2-.Ltmp0, $4  }
0x72: {  	s6 =	sadd.s32 s6, s11;
	[sflag:s18] =	ssyncadd.s32 $0xFFFF3800  }
0x73: {  	[hbm4b:s6+s5] =	stream.linear.scatter [tilespmem:s25], [sflag:$0x3], $0x1900, $0x38;
	[tilespmem:$0x1C840] =	vst v63  }
0x74: {  	_ =	swait.ge [sflag:s18], $0x1900  }
0x75: {  	s30 =	sadd.s32 $0x64, s30;
	s31 =	sadd.s32 $0x3200, s31;
	[sflag:s18] =	ssyncset.done $0x0  }
0x76: {  	[sflag:s18] =	ssyncadd.s32 $0xFFFFE700  }
0x77: {  	_ =	swait.ge [sflag:s22], $0xC800  }
0x78: {  	[sflag:s22] =	ssyncset.done $0x0  }
0x79: {  	[sflag:s22] =	ssyncadd.s32 $0xFFFF3800  }
0x7a: {  	_ =	swait.ge [sflag:s22], $0x1900  }
0x7b: {  	[sflag:s22] =	ssyncset.done $0x0  }
0x7c: {  	s6 =	rddreg [dreg:$0x6];
	[sflag:s22] =	ssyncadd.s32 $0xFFFFE700  }
0x7d: {  	[hbm4b:s6+s5] =	stream.linear.scatter [tilespmem:s19], [sflag:$0x3], $0xC800, $0x38;
	[tilespmem:$0x1C840] =	vst v63  }
0x7e: {  	s28 =	sadd.s32 $0x1, s28;
	_ =	swait.ge [sflag:s18], $0xC800  }
0x7f: {  	p0 =	sne.s32 s28, s9;
	[sflag:s18] =	ssyncset.done $0x0  }
.Ltmp1:
0x80: {  	[sflag:s18] =	ssyncadd.s32 $0xFFFF3800;
	(pc) =	sbr.rel @p0 .LBB2_1-.Ltmp1, $4  }
0x81: {  	[hbm4b:s8+s5] =	stream.linear.scatter [tilespmem:s20], [sflag:$0x3], $0x1900, $0x38;
	[tilespmem:$0x1C840] =	vst v63  }
0x82: {  	_ =	swait.ge [sflag:s18], $0x1900  }
0x83: {  	[sflag:s18] =	ssyncset.done $0x0  }
0x84: {  	[sflag:s18] =	ssyncadd.s32 $0xFFFFE700  }
0x85: {  	_ =	sfence.sel $0x180000  }
0x86: {  	[bflag:$0x0] =	sbarrier.arrive $0xFFFF  }
0x87: {  	_ =	strace $0x90000047  }
0x88: {  	s0 =	stileid.u32;
	[bflag:$0x2] =	sbarrier.arrive $0xFFFF  }
0x89: {  	p0 =	sne.s32 s0, $0x0;
	s0 =	rddreg [dreg:$0x4]  }
0x8a: {  	s0 =	sadd.s32 @!p0 $0x100000, s0  }
0x8b: {  	[sflag:s0] =	ssyncadd.tile.s32 @!p0 $0x1;
	_ =	shalt  }
.Lfunc_end2:
_tile_overlayer_lowered:
.L_overlay_start_2:
0x8c: {  	(tag) =	ssettag $0x2  }
0x8d: {  	s0 =	rddreg [dreg:$0x0];
	s2 =	stileid.u32  }
0x8e: {  	s1 =	rddreg [dreg:$0x1];
	p0 =	sne.s32 s2, $0x0  }
0x8f: {  	s3 =	rddreg [dreg:$0x2];
	[bflag:$0x3] =	sbarrier.arrive $0xFFFF;
	s2 =	simm.s32 @!p0 $0x1C03  }
0x90: {  	[timem:s3], [sflag:s2] =	dma.local @!p0 [hbm:s0], s1  }
0x91: {  	s0 =	simm.s32 @!p0 $0x3  }
0x92: {  	_ =	swait.ge @!p0 [sflag:s0], s1  }
0x93: {  	s1 =	ssub.s32 @!p0 $0x0, s1;
	[sflag:s0] =	ssyncset.done @!p0 $0x0  }
0x94: {  	[sflag:s0] =	ssyncadd.s32 @!p0 s1  }
0x95: {  	[bflag:$0x3] =	sbarrier.arrive $0xFFFF  }
0x96: {  	_ =	shalt  }

</sc_bundles>
